<compile_context>
chip_gen: v7x
topology: tpu7x:2x2x1
jax: 0.10.2.dev20260603
libtpu: 0.0.44.dev20260713+nightly
codegen_flags: <defaults>
</compile_context>

<pallas_src>
import functools

import jax
import jax.numpy as jnp
from jax import lax
from jax.experimental import pallas as pl
from jax.experimental.pallas import tpu as pltpu
from jax.experimental.pallas import tpu_sc as plsc

_NC = 2
_NS = 16
_NW = _NC * _NS
_C = 8
_NBUF = 2


def _build(B0, B1, V, D):
    rows_per_w = B0 // _NW
    nchunk = rows_per_w // _C
    mesh = plsc.VectorSubcoreMesh(core_axis_name="c", subcore_axis_name="s")

    @functools.partial(
        pl.kernel,
        mesh=mesh,
        out_type=jax.ShapeDtypeStruct((B0, 56, 128), jnp.float32),
        scratch_types=[
            pltpu.VMEM((_C, B1), jnp.int32),
            pltpu.VMEM((_C, B1), jnp.int32),
            pltpu.VMEM((_C, B1, D), jnp.float32),
            pltpu.VMEM((_C, B1, D), jnp.float32),
            pltpu.SemaphoreType.DMA,
            pltpu.SemaphoreType.DMA,
            pltpu.SemaphoreType.DMA,
            pltpu.SemaphoreType.DMA,
        ],
        compiler_params=pltpu.CompilerParams(use_tc_tiling_on_sc=False),
    )
    def k(idx_hbm, table_hbm, out_hbm, idx0, idx1, rows0, rows1, g0, g1, w0, w1):
        idx_b = (idx0, idx1)
        rows_b = (rows0, rows1)
        gs = (g0, g1)
        ws = (w0, w1)
        wid = lax.axis_index("s") * _NC + lax.axis_index("c")
        cbase = wid * nchunk

        def fire(g, b):
            ibase = (cbase + g) * _C
            pltpu.sync_copy(idx_hbm.at[pl.ds(ibase, _C)], idx_b[b])
            for j in range(_C):
                pltpu.async_copy(table_hbm.at[idx_b[b].at[j]], rows_b[b].at[j], gs[b])

        def out_slab(g):
            return out_hbm.at[
                pl.ds((cbase + g) * _C, _C), pl.ds(0, B1), pl.ds(0, D)
            ]

        def gather_wait(b):
            pltpu.make_async_copy(out_slab(0), rows_b[b], gs[b]).wait()

        def writeback(g, b):
            pltpu.async_copy(rows_b[b], out_slab(g), ws[b])

        def wb_wait(b):
            pltpu.make_async_copy(rows_b[b], out_slab(0), ws[b]).wait()

        def body(i, carry):
            for b in range(_NBUF):
                g = _NBUF * i + b

                @pl.when(g >= _NBUF)
                def _():
                    wb_wait(b)

                fire(g, b)

                @pl.when(g >= 1)
                def _():
                    gather_wait(1 - b)
                    writeback(g - 1, 1 - b)

            return carry

        lax.fori_loop(0, nchunk // _NBUF, body, None)
        gather_wait((nchunk - 1) % _NBUF)
        writeback(nchunk - 1, (nchunk - 1) % _NBUF)
        for b in range(_NBUF):
            wb_wait(b)

    return k


def kernel(x, table):
    B0, B1 = x.shape
    V, D = table.shape
    x2 = x.astype(jnp.int32) * 2
    tt = jnp.pad(table, ((0, 0), (0, 128 - D))).reshape(2 * V, D)
    padded = _build(B0, B1, 2 * V, D)(x2, tt)
    return padded[:, :B1, :D]

# --- scband reference (transcript-rebuilt; emitter-appended) ---
"""Pipeline reference for scband-embedding-12541304504969 (READ-ONLY COPY).

The authoritative reference and input builder live on the scoring server;
editing this copy changes nothing except your own understanding.
"""

import jax, jax.numpy as jnp
import numpy as np

VOCAB = 1000000
EMBED = 64

def setup_inputs(seed: int = 0) -> dict:
    key = jax.random.key(seed)
    k1, k2 = jax.random.split(key)
    x = jax.random.randint(k1, (16384, 50), 0, VOCAB, dtype=jnp.int64 if jax.config.jax_enable_x64 else jnp.int32)
    table = jax.random.normal(k2, (VOCAB, EMBED), dtype=jnp.float32)
    return {"x": x, "table": table}

def reference(x, table):
    # Faithful translation: bounds check then embedding gather.
    # (In jax we perform the gather; bounds are guaranteed by setup_inputs.)
    return jnp.take(table, x, axis=0)

if __name__ == "__main__":
    import jax
    _d = setup_inputs()
    print(jax.jit(kernel)(*tuple(_d.values())))

</pallas_src>

<mosaic_0001>
#map = affine_map<(d0, d1) -> (0, 0)>
#map1 = affine_map<(d0, d1) -> (0, 0, 0)>
module attributes {stable_mosaic.version = 14 : i64} {
  func.func @k(%arg0: i32, %arg1: i32, %arg2: memref<16384x50xi32, #tpu.memory_space<hbm>>, %arg3: memref<2000000x64xf32, #tpu.memory_space<hbm>>, %arg4: memref<16384x56x128xf32, #tpu.memory_space<hbm>>, %arg5: memref<8x50xi32, #tpu.memory_space<vmem>>, %arg6: memref<8x50xi32, #tpu.memory_space<vmem>>, %arg7: memref<8x50x64xf32, #tpu.memory_space<vmem>>, %arg8: memref<8x50x64xf32, #tpu.memory_space<vmem>>, %arg9: memref<!tpu.dma_semaphore, #tpu.memory_space<semaphore_mem>>, %arg10: memref<!tpu.dma_semaphore, #tpu.memory_space<semaphore_mem>>, %arg11: memref<!tpu.dma_semaphore, #tpu.memory_space<semaphore_mem>>, %arg12: memref<!tpu.dma_semaphore, #tpu.memory_space<semaphore_mem>>) attributes {dimension_semantics = [#tpu.dimension_semantics<core_parallel>, #tpu.dimension_semantics<subcore_parallel>], iteration_bounds = array<i64: 2, 16>, scalar_prefetch = 0 : i64, scratch_operands = 8 : i64, tpu.core_type = #tpu.core_type<sc_vector_subcore>, window_params = [{transform_indices = #map}, {transform_indices = #map}, {transform_indices = #map1}]} {
    %mul3A = arith.constant 2 : i32
    %mul3A_0 = arith.muli %arg1, %mul3A : i32
    %add3A = arith.addi %mul3A_0, %arg0 : i32
    %mul3A_1 = arith.constant 64 : i32
    %mul3A_2 = arith.muli %add3A, %mul3A_1 : i32
    %scan3A = arith.constant 0 : i32
    %scan3A_3 = arith.constant 32 : i32
    %scan3A_4 = arith.addi %scan3A, %scan3A_3 : i32
    %scan3A_5 = arith.constant 1 : i32
    scf.for %scan3A_45 = %scan3A to %scan3A_4 step %scan3A_5  : i32 {
      %mul3A_46 = arith.constant 2 : i32
      %mul3A_47 = arith.muli %mul3A_46, %scan3A_45 : i32
      %add3A_48 = arith.constant 0 : i32
      %add3A_49 = arith.addi %mul3A_47, %add3A_48 : i32
      %ge3A = arith.constant 2 : i32
      %ge3A_50 = arith.cmpi sge, %add3A_49, %ge3A : i32
      %convert_element_type3A = arith.extui %ge3A_50 : i1 to i32
      %cond3A = arith.constant 0 : i32
      %cond3A_51 = arith.cmpi ne, %convert_element_type3A, %cond3A : i32
      scf.if %cond3A_51 {
        %add3A_269 = arith.constant 0 : i32
        %add3A_270 = arith.addi %mul3A_2, %add3A_269 : i32
        %mul3A_271 = arith.constant 8 : i32
        %mul3A_272 = arith.muli %add3A_270, %mul3A_271 : i32
        %dma_wait3A_273 = arith.constant 0 : i32
        %dma_wait3A_274 = arith.constant 0 : i32
        %dma_wait3A_275 = tpu.memref_slice %arg4[%mul3A_272, %dma_wait3A_273, %dma_wait3A_274] : memref<16384x56x128xf32, #tpu.memory_space<hbm>> -> memref<8x50x64xf32, #tpu.memory_space<hbm>>
        %dma_wait3A_276 = arith.constant 0 : i32
        %dma_wait3A_277 = arith.constant 0 : i32
        %dma_wait3A_278 = tpu.memref_slice %arg4[%mul3A_272, %dma_wait3A_276, %dma_wait3A_277] : memref<16384x56x128xf32, #tpu.memory_space<hbm>> -> memref<8x50x64xf32, #tpu.memory_space<hbm>>
        tpu.wait_dma2 semaphore(%arg11 : memref<!tpu.dma_semaphore, #tpu.memory_space<semaphore_mem>>) src(%arg7 : memref<8x50x64xf32, #tpu.memory_space<vmem>>) dst(%dma_wait3A_278 : memref<8x50x64xf32, #tpu.memory_space<hbm>>)
      } else {
      }
      %add3A_52 = arith.addi %mul3A_2, %add3A_49 : i32
      %mul3A_53 = arith.constant 8 : i32
      %mul3A_54 = arith.muli %add3A_52, %mul3A_53 : i32
      "tpu.region"() ({
        %run_scoped3A = tpu.sem_alloc : memref<!tpu.dma_semaphore, #tpu.memory_space<semaphore_mem>>
        %dma_start3A_269 = arith.constant 0 : i32
        %dma_start3A_270 = tpu.memref_slice %arg2[%mul3A_54, %dma_start3A_269] : memref<16384x50xi32, #tpu.memory_space<hbm>> -> memref<8x50xi32, #tpu.memory_space<hbm>>
        %dma_start3A_271 = arith.constant 0 : i32
        %dma_start3A_272 = tpu.memref_slice %arg2[%mul3A_54, %dma_start3A_271] : memref<16384x50xi32, #tpu.memory_space<hbm>> -> memref<8x50xi32, #tpu.memory_space<hbm>>
        tpu.enqueue_dma source(%dma_start3A_272 : memref<8x50xi32, #tpu.memory_space<hbm>>) target(%arg5 : memref<8x50xi32, #tpu.memory_space<vmem>>) target_semaphore(%run_scoped3A : memref<!tpu.dma_semaphore, #tpu.memory_space<semaphore_mem>>)
        %dma_wait3A_273 = arith.constant 0 : i32
        %dma_wait3A_274 = tpu.memref_slice %arg2[%mul3A_54, %dma_wait3A_273] : memref<16384x50xi32, #tpu.memory_space<hbm>> -> memref<8x50xi32, #tpu.memory_space<hbm>>
        %dma_wait3A_275 = arith.constant 0 : i32
        %dma_wait3A_276 = tpu.memref_slice %arg2[%mul3A_54, %dma_wait3A_275] : memref<16384x50xi32, #tpu.memory_space<hbm>> -> memref<8x50xi32, #tpu.memory_space<hbm>>
        tpu.wait_dma2 semaphore(%run_scoped3A : memref<!tpu.dma_semaphore, #tpu.memory_space<semaphore_mem>>) src(%dma_wait3A_276 : memref<8x50xi32, #tpu.memory_space<hbm>>) dst(%arg5 : memref<8x50xi32, #tpu.memory_space<vmem>>)
        tpu.yield
      }) : () -> ()
      %dma_start3A_55 = arith.constant 0 : i32
      %dma_start3A_56 = arith.constant 0 : i32
      %dma_start3A_57 = arith.constant 0 : i32
      %dma_start3A_58 = arith.constant 0 : i32
      %dma_start3A_59 = tpu.memref_slice %arg7[%dma_start3A_56, %dma_start3A_57, %dma_start3A_58] : memref<8x50x64xf32, #tpu.memory_space<vmem>> -> memref<1x50x64xf32, #tpu.memory_space<vmem>>
      %dma_start3A_60 = tpu.memref_squeeze %dma_start3A_59 : memref<1x50x64xf32, #tpu.memory_space<vmem>> -> memref<50x64xf32, #tpu.memory_space<vmem>>
      %dma_start3A_61 = arith.constant 0 : i32
      %dma_start3A_62 = tpu.memref_slice %arg5[%dma_start3A_55, %dma_start3A_61] : memref<8x50xi32, #tpu.memory_space<vmem>> -> memref<1x50xi32, #tpu.memory_space<vmem>>
      %dma_start3A_63 = tpu.memref_squeeze %dma_start3A_62 : memref<1x50xi32, #tpu.memory_space<vmem>> -> memref<50xi32, #tpu.memory_space<vmem>>
      %dma_start3A_64 = arith.constant 0 : i32
      %dma_start3A_65 = arith.constant 0 : i32
      %dma_start3A_66 = tpu.memref_slice %arg3[%dma_start3A_64, %dma_start3A_65] : memref<2000000x64xf32, #tpu.memory_space<hbm>> -> memref<2000000x64xf32, #tpu.memory_space<hbm>>
      tpu.enqueue_indirect_dma source(%dma_start3A_66 : memref<2000000x64xf32, #tpu.memory_space<hbm>>) target(%dma_start3A_60 : memref<50x64xf32, #tpu.memory_space<vmem>>) offsets(%dma_start3A_63 : memref<50xi32, #tpu.memory_space<vmem>>) semaphore(%arg9 : memref<!tpu.dma_semaphore, #tpu.memory_space<semaphore_mem>>)
      %dma_start3A_67 = arith.constant 1 : i32
      %dma_start3A_68 = arith.constant 1 : i32
      %dma_start3A_69 = arith.constant 0 : i32
      %dma_start3A_70 = arith.constant 0 : i32
      %dma_start3A_71 = tpu.memref_slice %arg7[%dma_start3A_68, %dma_start3A_69, %dma_start3A_70] : memref<8x50x64xf32, #tpu.memory_space<vmem>> -> memref<1x50x64xf32, #tpu.memory_space<vmem>>
      %dma_start3A_72 = tpu.memref_squeeze %dma_start3A_71 : memref<1x50x64xf32, #tpu.memory_space<vmem>> -> memref<50x64xf32, #tpu.memory_space<vmem>>
      %dma_start3A_73 = arith.constant 0 : i32
      %dma_start3A_74 = tpu.memref_slice %arg5[%dma_start3A_67, %dma_start3A_73] : memref<8x50xi32, #tpu.memory_space<vmem>> -> memref<1x50xi32, #tpu.memory_space<vmem>>
      %dma_start3A_75 = tpu.memref_squeeze %dma_start3A_74 : memref<1x50xi32, #tpu.memory_space<vmem>> -> memref<50xi32, #tpu.memory_space<vmem>>
      %dma_start3A_76 = arith.constant 0 : i32
      %dma_start3A_77 = arith.constant 0 : i32
      %dma_start3A_78 = tpu.memref_slice %arg3[%dma_start3A_76, %dma_start3A_77] : memref<2000000x64xf32, #tpu.memory_space<hbm>> -> memref<2000000x64xf32, #tpu.memory_space<hbm>>
      tpu.enqueue_indirect_dma source(%dma_start3A_78 : memref<2000000x64xf32, #tpu.memory_space<hbm>>) target(%dma_start3A_72 : memref<50x64xf32, #tpu.memory_space<vmem>>) offsets(%dma_start3A_75 : memref<50xi32, #tpu.memory_space<vmem>>) semaphore(%arg9 : memref<!tpu.dma_semaphore, #tpu.memory_space<semaphore_mem>>)
      %dma_start3A_79 = arith.constant 2 : i32
      %dma_start3A_80 = arith.constant 2 : i32
      %dma_start3A_81 = arith.constant 0 : i32
      %dma_start3A_82 = arith.constant 0 : i32
      %dma_start3A_83 = tpu.memref_slice %arg7[%dma_start3A_80, %dma_start3A_81, %dma_start3A_82] : memref<8x50x64xf32, #tpu.memory_space<vmem>> -> memref<1x50x64xf32, #tpu.memory_space<vmem>>
      %dma_start3A_84 = tpu.memref_squeeze %dma_start3A_83 : memref<1x50x64xf32, #tpu.memory_space<vmem>> -> memref<50x64xf32, #tpu.memory_space<vmem>>
      %dma_start3A_85 = arith.constant 0 : i32
      %dma_start3A_86 = tpu.memref_slice %arg5[%dma_start3A_79, %dma_start3A_85] : memref<8x50xi32, #tpu.memory_space<vmem>> -> memref<1x50xi32, #tpu.memory_space<vmem>>
      %dma_start3A_87 = tpu.memref_squeeze %dma_start3A_86 : memref<1x50xi32, #tpu.memory_space<vmem>> -> memref<50xi32, #tpu.memory_space<vmem>>
      %dma_start3A_88 = arith.constant 0 : i32
      %dma_start3A_89 = arith.constant 0 : i32
      %dma_start3A_90 = tpu.memref_slice %arg3[%dma_start3A_88, %dma_start3A_89] : memref<2000000x64xf32, #tpu.memory_space<hbm>> -> memref<2000000x64xf32, #tpu.memory_space<hbm>>
      tpu.enqueue_indirect_dma source(%dma_start3A_90 : memref<2000000x64xf32, #tpu.memory_space<hbm>>) target(%dma_start3A_84 : memref<50x64xf32, #tpu.memory_space<vmem>>) offsets(%dma_start3A_87 : memref<50xi32, #tpu.memory_space<vmem>>) semaphore(%arg9 : memref<!tpu.dma_semaphore, #tpu.memory_space<semaphore_mem>>)
      %dma_start3A_91 = arith.constant 3 : i32
      %dma_start3A_92 = arith.constant 3 : i32
      %dma_start3A_93 = arith.constant 0 : i32
      %dma_start3A_94 = arith.constant 0 : i32
      %dma_start3A_95 = tpu.memref_slice %arg7[%dma_start3A_92, %dma_start3A_93, %dma_start3A_94] : memref<8x50x64xf32, #tpu.memory_space<vmem>> -> memref<1x50x64xf32, #tpu.memory_space<vmem>>
      %dma_start3A_96 = tpu.memref_squeeze %dma_start3A_95 : memref<1x50x64xf32, #tpu.memory_space<vmem>> -> memref<50x64xf32, #tpu.memory_space<vmem>>
      %dma_start3A_97 = arith.constant 0 : i32
      %dma_start3A_98 = tpu.memref_slice %arg5[%dma_start3A_91, %dma_start3A_97] : memref<8x50xi32, #tpu.memory_space<vmem>> -> memref<1x50xi32, #tpu.memory_space<vmem>>
      %dma_start3A_99 = tpu.memref_squeeze %dma_start3A_98 : memref<1x50xi32, #tpu.memory_space<vmem>> -> memref<50xi32, #tpu.memory_space<vmem>>
      %dma_start3A_100 = arith.constant 0 : i32
      %dma_start3A_101 = arith.constant 0 : i32
      %dma_start3A_102 = tpu.memref_slice %arg3[%dma_start3A_100, %dma_start3A_101] : memref<2000000x64xf32, #tpu.memory_space<hbm>> -> memref<2000000x64xf32, #tpu.memory_space<hbm>>
      tpu.enqueue_indirect_dma source(%dma_start3A_102 : memref<2000000x64xf32, #tpu.memory_space<hbm>>) target(%dma_start3A_96 : memref<50x64xf32, #tpu.memory_space<vmem>>) offsets(%dma_start3A_99 : memref<50xi32, #tpu.memory_space<vmem>>) semaphore(%arg9 : memref<!tpu.dma_semaphore, #tpu.memory_space<semaphore_mem>>)
      %dma_start3A_103 = arith.constant 4 : i32
      %dma_start3A_104 = arith.constant 4 : i32
      %dma_start3A_105 = arith.constant 0 : i32
      %dma_start3A_106 = arith.constant 0 : i32
      %dma_start3A_107 = tpu.memref_slice %arg7[%dma_start3A_104, %dma_start3A_105, %dma_start3A_106] : memref<8x50x64xf32, #tpu.memory_space<vmem>> -> memref<1x50x64xf32, #tpu.memory_space<vmem>>
      %dma_start3A_108 = tpu.memref_squeeze %dma_start3A_107 : memref<1x50x64xf32, #tpu.memory_space<vmem>> -> memref<50x64xf32, #tpu.memory_space<vmem>>
      %dma_start3A_109 = arith.constant 0 : i32
      %dma_start3A_110 = tpu.memref_slice %arg5[%dma_start3A_103, %dma_start3A_109] : memref<8x50xi32, #tpu.memory_space<vmem>> -> memref<1x50xi32, #tpu.memory_space<vmem>>
      %dma_start3A_111 = tpu.memref_squeeze %dma_start3A_110 : memref<1x50xi32, #tpu.memory_space<vmem>> -> memref<50xi32, #tpu.memory_space<vmem>>
      %dma_start3A_112 = arith.constant 0 : i32
      %dma_start3A_113 = arith.constant 0 : i32
      %dma_start3A_114 = tpu.memref_slice %arg3[%dma_start3A_112, %dma_start3A_113] : memref<2000000x64xf32, #tpu.memory_space<hbm>> -> memref<2000000x64xf32, #tpu.memory_space<hbm>>
      tpu.enqueue_indirect_dma source(%dma_start3A_114 : memref<2000000x64xf32, #tpu.memory_space<hbm>>) target(%dma_start3A_108 : memref<50x64xf32, #tpu.memory_space<vmem>>) offsets(%dma_start3A_111 : memref<50xi32, #tpu.memory_space<vmem>>) semaphore(%arg9 : memref<!tpu.dma_semaphore, #tpu.memory_space<semaphore_mem>>)
      %dma_start3A_115 = arith.constant 5 : i32
      %dma_start3A_116 = arith.constant 5 : i32
      %dma_start3A_117 = arith.constant 0 : i32
      %dma_start3A_118 = arith.constant 0 : i32
      %dma_start3A_119 = tpu.memref_slice %arg7[%dma_start3A_116, %dma_start3A_117, %dma_start3A_118] : memref<8x50x64xf32, #tpu.memory_space<vmem>> -> memref<1x50x64xf32, #tpu.memory_space<vmem>>
      %dma_start3A_120 = tpu.memref_squeeze %dma_start3A_119 : memref<1x50x64xf32, #tpu.memory_space<vmem>> -> memref<50x64xf32, #tpu.memory_space<vmem>>
      %dma_start3A_121 = arith.constant 0 : i32
      %dma_start3A_122 = tpu.memref_slice %arg5[%dma_start3A_115, %dma_start3A_121] : memref<8x50xi32, #tpu.memory_space<vmem>> -> memref<1x50xi32, #tpu.memory_space<vmem>>
      %dma_start3A_123 = tpu.memref_squeeze %dma_start3A_122 : memref<1x50xi32, #tpu.memory_space<vmem>> -> memref<50xi32, #tpu.memory_space<vmem>>
      %dma_start3A_124 = arith.constant 0 : i32
      %dma_start3A_125 = arith.constant 0 : i32
      %dma_start3A_126 = tpu.memref_slice %arg3[%dma_start3A_124, %dma_start3A_125] : memref<2000000x64xf32, #tpu.memory_space<hbm>> -> memref<2000000x64xf32, #tpu.memory_space<hbm>>
      tpu.enqueue_indirect_dma source(%dma_start3A_126 : memref<2000000x64xf32, #tpu.memory_space<hbm>>) target(%dma_start3A_120 : memref<50x64xf32, #tpu.memory_space<vmem>>) offsets(%dma_start3A_123 : memref<50xi32, #tpu.memory_space<vmem>>) semaphore(%arg9 : memref<!tpu.dma_semaphore, #tpu.memory_space<semaphore_mem>>)
      %dma_start3A_127 = arith.constant 6 : i32
      %dma_start3A_128 = arith.constant 6 : i32
      %dma_start3A_129 = arith.constant 0 : i32
      %dma_start3A_130 = arith.constant 0 : i32
      %dma_start3A_131 = tpu.memref_slice %arg7[%dma_start3A_128, %dma_start3A_129, %dma_start3A_130] : memref<8x50x64xf32, #tpu.memory_space<vmem>> -> memref<1x50x64xf32, #tpu.memory_space<vmem>>
      %dma_start3A_132 = tpu.memref_squeeze %dma_start3A_131 : memref<1x50x64xf32, #tpu.memory_space<vmem>> -> memref<50x64xf32, #tpu.memory_space<vmem>>
      %dma_start3A_133 = arith.constant 0 : i32
      %dma_start3A_134 = tpu.memref_slice %arg5[%dma_start3A_127, %dma_start3A_133] : memref<8x50xi32, #tpu.memory_space<vmem>> -> memref<1x50xi32, #tpu.memory_space<vmem>>
      %dma_start3A_135 = tpu.memref_squeeze %dma_start3A_134 : memref<1x50xi32, #tpu.memory_space<vmem>> -> memref<50xi32, #tpu.memory_space<vmem>>
      %dma_start3A_136 = arith.constant 0 : i32
      %dma_start3A_137 = arith.constant 0 : i32
      %dma_start3A_138 = tpu.memref_slice %arg3[%dma_start3A_136, %dma_start3A_137] : memref<2000000x64xf32, #tpu.memory_space<hbm>> -> memref<2000000x64xf32, #tpu.memory_space<hbm>>
      tpu.enqueue_indirect_dma source(%dma_start3A_138 : memref<2000000x64xf32, #tpu.memory_space<hbm>>) target(%dma_start3A_132 : memref<50x64xf32, #tpu.memory_space<vmem>>) offsets(%dma_start3A_135 : memref<50xi32, #tpu.memory_space<vmem>>) semaphore(%arg9 : memref<!tpu.dma_semaphore, #tpu.memory_space<semaphore_mem>>)
      %dma_start3A_139 = arith.constant 7 : i32
      %dma_start3A_140 = arith.constant 7 : i32
      %dma_start3A_141 = arith.constant 0 : i32
      %dma_start3A_142 = arith.constant 0 : i32
      %dma_start3A_143 = tpu.memref_slice %arg7[%dma_start3A_140, %dma_start3A_141, %dma_start3A_142] : memref<8x50x64xf32, #tpu.memory_space<vmem>> -> memref<1x50x64xf32, #tpu.memory_space<vmem>>
      %dma_start3A_144 = tpu.memref_squeeze %dma_start3A_143 : memref<1x50x64xf32, #tpu.memory_space<vmem>> -> memref<50x64xf32, #tpu.memory_space<vmem>>
      %dma_start3A_145 = arith.constant 0 : i32
      %dma_start3A_146 = tpu.memref_slice %arg5[%dma_start3A_139, %dma_start3A_145] : memref<8x50xi32, #tpu.memory_space<vmem>> -> memref<1x50xi32, #tpu.memory_space<vmem>>
      %dma_start3A_147 = tpu.memref_squeeze %dma_start3A_146 : memref<1x50xi32, #tpu.memory_space<vmem>> -> memref<50xi32, #tpu.memory_space<vmem>>
      %dma_start3A_148 = arith.constant 0 : i32
      %dma_start3A_149 = arith.constant 0 : i32
      %dma_start3A_150 = tpu.memref_slice %arg3[%dma_start3A_148, %dma_start3A_149] : memref<2000000x64xf32, #tpu.memory_space<hbm>> -> memref<2000000x64xf32, #tpu.memory_space<hbm>>
      tpu.enqueue_indirect_dma source(%dma_start3A_150 : memref<2000000x64xf32, #tpu.memory_space<hbm>>) target(%dma_start3A_144 : memref<50x64xf32, #tpu.memory_space<vmem>>) offsets(%dma_start3A_147 : memref<50xi32, #tpu.memory_space<vmem>>) semaphore(%arg9 : memref<!tpu.dma_semaphore, #tpu.memory_space<semaphore_mem>>)
      %ge3A_151 = arith.constant 1 : i32
      %ge3A_152 = arith.cmpi sge, %add3A_49, %ge3A_151 : i32
      %convert_element_type3A_153 = arith.extui %ge3A_152 : i1 to i32
      %cond3A_154 = arith.constant 0 : i32
      %cond3A_155 = arith.cmpi ne, %convert_element_type3A_153, %cond3A_154 : i32
      scf.if %cond3A_155 {
        %add3A_269 = arith.constant 0 : i32
        %add3A_270 = arith.addi %mul3A_2, %add3A_269 : i32
        %mul3A_271 = arith.constant 8 : i32
        %mul3A_272 = arith.muli %add3A_270, %mul3A_271 : i32
        %dma_wait3A_273 = arith.constant 0 : i32
        %dma_wait3A_274 = arith.constant 0 : i32
        %dma_wait3A_275 = tpu.memref_slice %arg4[%mul3A_272, %dma_wait3A_273, %dma_wait3A_274] : memref<16384x56x128xf32, #tpu.memory_space<hbm>> -> memref<8x50x64xf32, #tpu.memory_space<hbm>>
        %dma_wait3A_276 = arith.constant 0 : i32
        %dma_wait3A_277 = arith.constant 0 : i32
        %dma_wait3A_278 = tpu.memref_slice %arg4[%mul3A_272, %dma_wait3A_276, %dma_wait3A_277] : memref<16384x56x128xf32, #tpu.memory_space<hbm>> -> memref<8x50x64xf32, #tpu.memory_space<hbm>>
        tpu.wait_dma2 semaphore(%arg10 : memref<!tpu.dma_semaphore, #tpu.memory_space<semaphore_mem>>) src(%dma_wait3A_278 : memref<8x50x64xf32, #tpu.memory_space<hbm>>) dst(%arg8 : memref<8x50x64xf32, #tpu.memory_space<vmem>>)
        %sub3A = arith.constant 1 : i32
        %sub3A_279 = arith.subi %add3A_49, %sub3A : i32
        %add3A_280 = arith.addi %mul3A_2, %sub3A_279 : i32
        %mul3A_281 = arith.constant 8 : i32
        %mul3A_282 = arith.muli %add3A_280, %mul3A_281 : i32
        %dma_start3A_283 = arith.constant 0 : i32
        %dma_start3A_284 = arith.constant 0 : i32
        %dma_start3A_285 = tpu.memref_slice %arg4[%mul3A_282, %dma_start3A_283, %dma_start3A_284] : memref<16384x56x128xf32, #tpu.memory_space<hbm>> -> memref<8x50x64xf32, #tpu.memory_space<hbm>>
        %dma_start3A_286 = arith.constant 0 : i32
        %dma_start3A_287 = arith.constant 0 : i32
        %dma_start3A_288 = tpu.memref_slice %arg4[%mul3A_282, %dma_start3A_286, %dma_start3A_287] : memref<16384x56x128xf32, #tpu.memory_space<hbm>> -> memref<8x50x64xf32, #tpu.memory_space<hbm>>
        tpu.enqueue_dma source(%arg8 : memref<8x50x64xf32, #tpu.memory_space<vmem>>) target(%dma_start3A_288 : memref<8x50x64xf32, #tpu.memory_space<hbm>>) target_semaphore(%arg12 : memref<!tpu.dma_semaphore, #tpu.memory_space<semaphore_mem>>)
      } else {
      }
      %mul3A_156 = arith.constant 2 : i32
      %mul3A_157 = arith.muli %mul3A_156, %scan3A_45 : i32
      %add3A_158 = arith.constant 1 : i32
      %add3A_159 = arith.addi %mul3A_157, %add3A_158 : i32
      %ge3A_160 = arith.constant 2 : i32
      %ge3A_161 = arith.cmpi sge, %add3A_159, %ge3A_160 : i32
      %convert_element_type3A_162 = arith.extui %ge3A_161 : i1 to i32
      %cond3A_163 = arith.constant 0 : i32
      %cond3A_164 = arith.cmpi ne, %convert_element_type3A_162, %cond3A_163 : i32
      scf.if %cond3A_164 {
        %add3A_269 = arith.constant 0 : i32
        %add3A_270 = arith.addi %mul3A_2, %add3A_269 : i32
        %mul3A_271 = arith.constant 8 : i32
        %mul3A_272 = arith.muli %add3A_270, %mul3A_271 : i32
        %dma_wait3A_273 = arith.constant 0 : i32
        %dma_wait3A_274 = arith.constant 0 : i32
        %dma_wait3A_275 = tpu.memref_slice %arg4[%mul3A_272, %dma_wait3A_273, %dma_wait3A_274] : memref<16384x56x128xf32, #tpu.memory_space<hbm>> -> memref<8x50x64xf32, #tpu.memory_space<hbm>>
        %dma_wait3A_276 = arith.constant 0 : i32
        %dma_wait3A_277 = arith.constant 0 : i32
        %dma_wait3A_278 = tpu.memref_slice %arg4[%mul3A_272, %dma_wait3A_276, %dma_wait3A_277] : memref<16384x56x128xf32, #tpu.memory_space<hbm>> -> memref<8x50x64xf32, #tpu.memory_space<hbm>>
        tpu.wait_dma2 semaphore(%arg12 : memref<!tpu.dma_semaphore, #tpu.memory_space<semaphore_mem>>) src(%arg8 : memref<8x50x64xf32, #tpu.memory_space<vmem>>) dst(%dma_wait3A_278 : memref<8x50x64xf32, #tpu.memory_space<hbm>>)
      } else {
      }
      %add3A_165 = arith.addi %mul3A_2, %add3A_159 : i32
      %mul3A_166 = arith.constant 8 : i32
      %mul3A_167 = arith.muli %add3A_165, %mul3A_166 : i32
      "tpu.region"() ({
        %run_scoped3A = tpu.sem_alloc : memref<!tpu.dma_semaphore, #tpu.memory_space<semaphore_mem>>
        %dma_start3A_269 = arith.constant 0 : i32
        %dma_start3A_270 = tpu.memref_slice %arg2[%mul3A_167, %dma_start3A_269] : memref<16384x50xi32, #tpu.memory_space<hbm>> -> memref<8x50xi32, #tpu.memory_space<hbm>>
        %dma_start3A_271 = arith.constant 0 : i32
        %dma_start3A_272 = tpu.memref_slice %arg2[%mul3A_167, %dma_start3A_271] : memref<16384x50xi32, #tpu.memory_space<hbm>> -> memref<8x50xi32, #tpu.memory_space<hbm>>
        tpu.enqueue_dma source(%dma_start3A_272 : memref<8x50xi32, #tpu.memory_space<hbm>>) target(%arg6 : memref<8x50xi32, #tpu.memory_space<vmem>>) target_semaphore(%run_scoped3A : memref<!tpu.dma_semaphore, #tpu.memory_space<semaphore_mem>>)
        %dma_wait3A_273 = arith.constant 0 : i32
        %dma_wait3A_274 = tpu.memref_slice %arg2[%mul3A_167, %dma_wait3A_273] : memref<16384x50xi32, #tpu.memory_space<hbm>> -> memref<8x50xi32, #tpu.memory_space<hbm>>
        %dma_wait3A_275 = arith.constant 0 : i32
        %dma_wait3A_276 = tpu.memref_slice %arg2[%mul3A_167, %dma_wait3A_275] : memref<16384x50xi32, #tpu.memory_space<hbm>> -> memref<8x50xi32, #tpu.memory_space<hbm>>
        tpu.wait_dma2 semaphore(%run_scoped3A : memref<!tpu.dma_semaphore, #tpu.memory_space<semaphore_mem>>) src(%dma_wait3A_276 : memref<8x50xi32, #tpu.memory_space<hbm>>) dst(%arg6 : memref<8x50xi32, #tpu.memory_space<vmem>>)
        tpu.yield
      }) : () -> ()
      %dma_start3A_168 = arith.constant 0 : i32
      %dma_start3A_169 = arith.constant 0 : i32
      %dma_start3A_170 = arith.constant 0 : i32
      %dma_start3A_171 = arith.constant 0 : i32
      %dma_start3A_172 = tpu.memref_slice %arg8[%dma_start3A_169, %dma_start3A_170, %dma_start3A_171] : memref<8x50x64xf32, #tpu.memory_space<vmem>> -> memref<1x50x64xf32, #tpu.memory_space<vmem>>
      %dma_start3A_173 = tpu.memref_squeeze %dma_start3A_172 : memref<1x50x64xf32, #tpu.memory_space<vmem>> -> memref<50x64xf32, #tpu.memory_space<vmem>>
      %dma_start3A_174 = arith.constant 0 : i32
      %dma_start3A_175 = tpu.memref_slice %arg6[%dma_start3A_168, %dma_start3A_174] : memref<8x50xi32, #tpu.memory_space<vmem>> -> memref<1x50xi32, #tpu.memory_space<vmem>>
      %dma_start3A_176 = tpu.memref_squeeze %dma_start3A_175 : memref<1x50xi32, #tpu.memory_space<vmem>> -> memref<50xi32, #tpu.memory_space<vmem>>
      %dma_start3A_177 = arith.constant 0 : i32
      %dma_start3A_178 = arith.constant 0 : i32
      %dma_start3A_179 = tpu.memref_slice %arg3[%dma_start3A_177, %dma_start3A_178] : memref<2000000x64xf32, #tpu.memory_space<hbm>> -> memref<2000000x64xf32, #tpu.memory_space<hbm>>
      tpu.enqueue_indirect_dma source(%dma_start3A_179 : memref<2000000x64xf32, #tpu.memory_space<hbm>>) target(%dma_start3A_173 : memref<50x64xf32, #tpu.memory_space<vmem>>) offsets(%dma_start3A_176 : memref<50xi32, #tpu.memory_space<vmem>>) semaphore(%arg10 : memref<!tpu.dma_semaphore, #tpu.memory_space<semaphore_mem>>)
      %dma_start3A_180 = arith.constant 1 : i32
      %dma_start3A_181 = arith.constant 1 : i32
      %dma_start3A_182 = arith.constant 0 : i32
      %dma_start3A_183 = arith.constant 0 : i32
      %dma_start3A_184 = tpu.memref_slice %arg8[%dma_start3A_181, %dma_start3A_182, %dma_start3A_183] : memref<8x50x64xf32, #tpu.memory_space<vmem>> -> memref<1x50x64xf32, #tpu.memory_space<vmem>>
      %dma_start3A_185 = tpu.memref_squeeze %dma_start3A_184 : memref<1x50x64xf32, #tpu.memory_space<vmem>> -> memref<50x64xf32, #tpu.memory_space<vmem>>
      %dma_start3A_186 = arith.constant 0 : i32
      %dma_start3A_187 = tpu.memref_slice %arg6[%dma_start3A_180, %dma_start3A_186] : memref<8x50xi32, #tpu.memory_space<vmem>> -> memref<1x50xi32, #tpu.memory_space<vmem>>
      %dma_start3A_188 = tpu.memref_squeeze %dma_start3A_187 : memref<1x50xi32, #tpu.memory_space<vmem>> -> memref<50xi32, #tpu.memory_space<vmem>>
      %dma_start3A_189 = arith.constant 0 : i32
      %dma_start3A_190 = arith.constant 0 : i32
      %dma_start3A_191 = tpu.memref_slice %arg3[%dma_start3A_189, %dma_start3A_190] : memref<2000000x64xf32, #tpu.memory_space<hbm>> -> memref<2000000x64xf32, #tpu.memory_space<hbm>>
      tpu.enqueue_indirect_dma source(%dma_start3A_191 : memref<2000000x64xf32, #tpu.memory_space<hbm>>) target(%dma_start3A_185 : memref<50x64xf32, #tpu.memory_space<vmem>>) offsets(%dma_start3A_188 : memref<50xi32, #tpu.memory_space<vmem>>) semaphore(%arg10 : memref<!tpu.dma_semaphore, #tpu.memory_space<semaphore_mem>>)
      %dma_start3A_192 = arith.constant 2 : i32
      %dma_start3A_193 = arith.constant 2 : i32
      %dma_start3A_194 = arith.constant 0 : i32
      %dma_start3A_195 = arith.constant 0 : i32
      %dma_start3A_196 = tpu.memref_slice %arg8[%dma_start3A_193, %dma_start3A_194, %dma_start3A_195] : memref<8x50x64xf32, #tpu.memory_space<vmem>> -> memref<1x50x64xf32, #tpu.memory_space<vmem>>
      %dma_start3A_197 = tpu.memref_squeeze %dma_start3A_196 : memref<1x50x64xf32, #tpu.memory_space<vmem>> -> memref<50x64xf32, #tpu.memory_space<vmem>>
      %dma_start3A_198 = arith.constant 0 : i32
      %dma_start3A_199 = tpu.memref_slice %arg6[%dma_start3A_192, %dma_start3A_198] : memref<8x50xi32, #tpu.memory_space<vmem>> -> memref<1x50xi32, #tpu.memory_space<vmem>>
      %dma_start3A_200 = tpu.memref_squeeze %dma_start3A_199 : memref<1x50xi32, #tpu.memory_space<vmem>> -> memref<50xi32, #tpu.memory_space<vmem>>
      %dma_start3A_201 = arith.constant 0 : i32
      %dma_start3A_202 = arith.constant 0 : i32
      %dma_start3A_203 = tpu.memref_slice %arg3[%dma_start3A_201, %dma_start3A_202] : memref<2000000x64xf32, #tpu.memory_space<hbm>> -> memref<2000000x64xf32, #tpu.memory_space<hbm>>
      tpu.enqueue_indirect_dma source(%dma_start3A_203 : memref<2000000x64xf32, #tpu.memory_space<hbm>>) target(%dma_start3A_197 : memref<50x64xf32, #tpu.memory_space<vmem>>) offsets(%dma_start3A_200 : memref<50xi32, #tpu.memory_space<vmem>>) semaphore(%arg10 : memref<!tpu.dma_semaphore, #tpu.memory_space<semaphore_mem>>)
      %dma_start3A_204 = arith.constant 3 : i32
      %dma_start3A_205 = arith.constant 3 : i32
      %dma_start3A_206 = arith.constant 0 : i32
      %dma_start3A_207 = arith.constant 0 : i32
      %dma_start3A_208 = tpu.memref_slice %arg8[%dma_start3A_205, %dma_start3A_206, %dma_start3A_207] : memref<8x50x64xf32, #tpu.memory_space<vmem>> -> memref<1x50x64xf32, #tpu.memory_space<vmem>>
      %dma_start3A_209 = tpu.memref_squeeze %dma_start3A_208 : memref<1x50x64xf32, #tpu.memory_space<vmem>> -> memref<50x64xf32, #tpu.memory_space<vmem>>
      %dma_start3A_210 = arith.constant 0 : i32
      %dma_start3A_211 = tpu.memref_slice %arg6[%dma_start3A_204, %dma_start3A_210] : memref<8x50xi32, #tpu.memory_space<vmem>> -> memref<1x50xi32, #tpu.memory_space<vmem>>
      %dma_start3A_212 = tpu.memref_squeeze %dma_start3A_211 : memref<1x50xi32, #tpu.memory_space<vmem>> -> memref<50xi32, #tpu.memory_space<vmem>>
      %dma_start3A_213 = arith.constant 0 : i32
      %dma_start3A_214 = arith.constant 0 : i32
      %dma_start3A_215 = tpu.memref_slice %arg3[%dma_start3A_213, %dma_start3A_214] : memref<2000000x64xf32, #tpu.memory_space<hbm>> -> memref<2000000x64xf32, #tpu.memory_space<hbm>>
      tpu.enqueue_indirect_dma source(%dma_start3A_215 : memref<2000000x64xf32, #tpu.memory_space<hbm>>) target(%dma_start3A_209 : memref<50x64xf32, #tpu.memory_space<vmem>>) offsets(%dma_start3A_212 : memref<50xi32, #tpu.memory_space<vmem>>) semaphore(%arg10 : memref<!tpu.dma_semaphore, #tpu.memory_space<semaphore_mem>>)
      %dma_start3A_216 = arith.constant 4 : i32
      %dma_start3A_217 = arith.constant 4 : i32
      %dma_start3A_218 = arith.constant 0 : i32
      %dma_start3A_219 = arith.constant 0 : i32
      %dma_start3A_220 = tpu.memref_slice %arg8[%dma_start3A_217, %dma_start3A_218, %dma_start3A_219] : memref<8x50x64xf32, #tpu.memory_space<vmem>> -> memref<1x50x64xf32, #tpu.memory_space<vmem>>
      %dma_start3A_221 = tpu.memref_squeeze %dma_start3A_220 : memref<1x50x64xf32, #tpu.memory_space<vmem>> -> memref<50x64xf32, #tpu.memory_space<vmem>>
      %dma_start3A_222 = arith.constant 0 : i32
      %dma_start3A_223 = tpu.memref_slice %arg6[%dma_start3A_216, %dma_start3A_222] : memref<8x50xi32, #tpu.memory_space<vmem>> -> memref<1x50xi32, #tpu.memory_space<vmem>>
      %dma_start3A_224 = tpu.memref_squeeze %dma_start3A_223 : memref<1x50xi32, #tpu.memory_space<vmem>> -> memref<50xi32, #tpu.memory_space<vmem>>
      %dma_start3A_225 = arith.constant 0 : i32
      %dma_start3A_226 = arith.constant 0 : i32
      %dma_start3A_227 = tpu.memref_slice %arg3[%dma_start3A_225, %dma_start3A_226] : memref<2000000x64xf32, #tpu.memory_space<hbm>> -> memref<2000000x64xf32, #tpu.memory_space<hbm>>
      tpu.enqueue_indirect_dma source(%dma_start3A_227 : memref<2000000x64xf32, #tpu.memory_space<hbm>>) target(%dma_start3A_221 : memref<50x64xf32, #tpu.memory_space<vmem>>) offsets(%dma_start3A_224 : memref<50xi32, #tpu.memory_space<vmem>>) semaphore(%arg10 : memref<!tpu.dma_semaphore, #tpu.memory_space<semaphore_mem>>)
      %dma_start3A_228 = arith.constant 5 : i32
      %dma_start3A_229 = arith.constant 5 : i32
      %dma_start3A_230 = arith.constant 0 : i32
      %dma_start3A_231 = arith.constant 0 : i32
      %dma_start3A_232 = tpu.memref_slice %arg8[%dma_start3A_229, %dma_start3A_230, %dma_start3A_231] : memref<8x50x64xf32, #tpu.memory_space<vmem>> -> memref<1x50x64xf32, #tpu.memory_space<vmem>>
      %dma_start3A_233 = tpu.memref_squeeze %dma_start3A_232 : memref<1x50x64xf32, #tpu.memory_space<vmem>> -> memref<50x64xf32, #tpu.memory_space<vmem>>
      %dma_start3A_234 = arith.constant 0 : i32
      %dma_start3A_235 = tpu.memref_slice %arg6[%dma_start3A_228, %dma_start3A_234] : memref<8x50xi32, #tpu.memory_space<vmem>> -> memref<1x50xi32, #tpu.memory_space<vmem>>
      %dma_start3A_236 = tpu.memref_squeeze %dma_start3A_235 : memref<1x50xi32, #tpu.memory_space<vmem>> -> memref<50xi32, #tpu.memory_space<vmem>>
      %dma_start3A_237 = arith.constant 0 : i32
      %dma_start3A_238 = arith.constant 0 : i32
      %dma_start3A_239 = tpu.memref_slice %arg3[%dma_start3A_237, %dma_start3A_238] : memref<2000000x64xf32, #tpu.memory_space<hbm>> -> memref<2000000x64xf32, #tpu.memory_space<hbm>>
      tpu.enqueue_indirect_dma source(%dma_start3A_239 : memref<2000000x64xf32, #tpu.memory_space<hbm>>) target(%dma_start3A_233 : memref<50x64xf32, #tpu.memory_space<vmem>>) offsets(%dma_start3A_236 : memref<50xi32, #tpu.memory_space<vmem>>) semaphore(%arg10 : memref<!tpu.dma_semaphore, #tpu.memory_space<semaphore_mem>>)
      %dma_start3A_240 = arith.constant 6 : i32
      %dma_start3A_241 = arith.constant 6 : i32
      %dma_start3A_242 = arith.constant 0 : i32
      %dma_start3A_243 = arith.constant 0 : i32
      %dma_start3A_244 = tpu.memref_slice %arg8[%dma_start3A_241, %dma_start3A_242, %dma_start3A_243] : memref<8x50x64xf32, #tpu.memory_space<vmem>> -> memref<1x50x64xf32, #tpu.memory_space<vmem>>
      %dma_start3A_245 = tpu.memref_squeeze %dma_start3A_244 : memref<1x50x64xf32, #tpu.memory_space<vmem>> -> memref<50x64xf32, #tpu.memory_space<vmem>>
      %dma_start3A_246 = arith.constant 0 : i32
      %dma_start3A_247 = tpu.memref_slice %arg6[%dma_start3A_240, %dma_start3A_246] : memref<8x50xi32, #tpu.memory_space<vmem>> -> memref<1x50xi32, #tpu.memory_space<vmem>>
      %dma_start3A_248 = tpu.memref_squeeze %dma_start3A_247 : memref<1x50xi32, #tpu.memory_space<vmem>> -> memref<50xi32, #tpu.memory_space<vmem>>
      %dma_start3A_249 = arith.constant 0 : i32
      %dma_start3A_250 = arith.constant 0 : i32
      %dma_start3A_251 = tpu.memref_slice %arg3[%dma_start3A_249, %dma_start3A_250] : memref<2000000x64xf32, #tpu.memory_space<hbm>> -> memref<2000000x64xf32, #tpu.memory_space<hbm>>
      tpu.enqueue_indirect_dma source(%dma_start3A_251 : memref<2000000x64xf32, #tpu.memory_space<hbm>>) target(%dma_start3A_245 : memref<50x64xf32, #tpu.memory_space<vmem>>) offsets(%dma_start3A_248 : memref<50xi32, #tpu.memory_space<vmem>>) semaphore(%arg10 : memref<!tpu.dma_semaphore, #tpu.memory_space<semaphore_mem>>)
      %dma_start3A_252 = arith.constant 7 : i32
      %dma_start3A_253 = arith.constant 7 : i32
      %dma_start3A_254 = arith.constant 0 : i32
      %dma_start3A_255 = arith.constant 0 : i32
      %dma_start3A_256 = tpu.memref_slice %arg8[%dma_start3A_253, %dma_start3A_254, %dma_start3A_255] : memref<8x50x64xf32, #tpu.memory_space<vmem>> -> memref<1x50x64xf32, #tpu.memory_space<vmem>>
      %dma_start3A_257 = tpu.memref_squeeze %dma_start3A_256 : memref<1x50x64xf32, #tpu.memory_space<vmem>> -> memref<50x64xf32, #tpu.memory_space<vmem>>
      %dma_start3A_258 = arith.constant 0 : i32
      %dma_start3A_259 = tpu.memref_slice %arg6[%dma_start3A_252, %dma_start3A_258] : memref<8x50xi32, #tpu.memory_space<vmem>> -> memref<1x50xi32, #tpu.memory_space<vmem>>
      %dma_start3A_260 = tpu.memref_squeeze %dma_start3A_259 : memref<1x50xi32, #tpu.memory_space<vmem>> -> memref<50xi32, #tpu.memory_space<vmem>>
      %dma_start3A_261 = arith.constant 0 : i32
      %dma_start3A_262 = arith.constant 0 : i32
      %dma_start3A_263 = tpu.memref_slice %arg3[%dma_start3A_261, %dma_start3A_262] : memref<2000000x64xf32, #tpu.memory_space<hbm>> -> memref<2000000x64xf32, #tpu.memory_space<hbm>>
      tpu.enqueue_indirect_dma source(%dma_start3A_263 : memref<2000000x64xf32, #tpu.memory_space<hbm>>) target(%dma_start3A_257 : memref<50x64xf32, #tpu.memory_space<vmem>>) offsets(%dma_start3A_260 : memref<50xi32, #tpu.memory_space<vmem>>) semaphore(%arg10 : memref<!tpu.dma_semaphore, #tpu.memory_space<semaphore_mem>>)
      %ge3A_264 = arith.constant 1 : i32
      %ge3A_265 = arith.cmpi sge, %add3A_159, %ge3A_264 : i32
      %convert_element_type3A_266 = arith.extui %ge3A_265 : i1 to i32
      %cond3A_267 = arith.constant 0 : i32
      %cond3A_268 = arith.cmpi ne, %convert_element_type3A_266, %cond3A_267 : i32
      scf.if %cond3A_268 {
        %add3A_269 = arith.constant 0 : i32
        %add3A_270 = arith.addi %mul3A_2, %add3A_269 : i32
        %mul3A_271 = arith.constant 8 : i32
        %mul3A_272 = arith.muli %add3A_270, %mul3A_271 : i32
        %dma_wait3A_273 = arith.constant 0 : i32
        %dma_wait3A_274 = arith.constant 0 : i32
        %dma_wait3A_275 = tpu.memref_slice %arg4[%mul3A_272, %dma_wait3A_273, %dma_wait3A_274] : memref<16384x56x128xf32, #tpu.memory_space<hbm>> -> memref<8x50x64xf32, #tpu.memory_space<hbm>>
        %dma_wait3A_276 = arith.constant 0 : i32
        %dma_wait3A_277 = arith.constant 0 : i32
        %dma_wait3A_278 = tpu.memref_slice %arg4[%mul3A_272, %dma_wait3A_276, %dma_wait3A_277] : memref<16384x56x128xf32, #tpu.memory_space<hbm>> -> memref<8x50x64xf32, #tpu.memory_space<hbm>>
        tpu.wait_dma2 semaphore(%arg9 : memref<!tpu.dma_semaphore, #tpu.memory_space<semaphore_mem>>) src(%dma_wait3A_278 : memref<8x50x64xf32, #tpu.memory_space<hbm>>) dst(%arg7 : memref<8x50x64xf32, #tpu.memory_space<vmem>>)
        %sub3A = arith.constant 1 : i32
        %sub3A_279 = arith.subi %add3A_159, %sub3A : i32
        %add3A_280 = arith.addi %mul3A_2, %sub3A_279 : i32
        %mul3A_281 = arith.constant 8 : i32
        %mul3A_282 = arith.muli %add3A_280, %mul3A_281 : i32
        %dma_start3A_283 = arith.constant 0 : i32
        %dma_start3A_284 = arith.constant 0 : i32
        %dma_start3A_285 = tpu.memref_slice %arg4[%mul3A_282, %dma_start3A_283, %dma_start3A_284] : memref<16384x56x128xf32, #tpu.memory_space<hbm>> -> memref<8x50x64xf32, #tpu.memory_space<hbm>>
        %dma_start3A_286 = arith.constant 0 : i32
        %dma_start3A_287 = arith.constant 0 : i32
        %dma_start3A_288 = tpu.memref_slice %arg4[%mul3A_282, %dma_start3A_286, %dma_start3A_287] : memref<16384x56x128xf32, #tpu.memory_space<hbm>> -> memref<8x50x64xf32, #tpu.memory_space<hbm>>
        tpu.enqueue_dma source(%arg7 : memref<8x50x64xf32, #tpu.memory_space<vmem>>) target(%dma_start3A_288 : memref<8x50x64xf32, #tpu.memory_space<hbm>>) target_semaphore(%arg11 : memref<!tpu.dma_semaphore, #tpu.memory_space<semaphore_mem>>)
      } else {
      }
    }
    %scan3A_6 = arith.constant 32 : i32
    %add3A_7 = arith.constant 0 : i32
    %add3A_8 = arith.addi %mul3A_2, %add3A_7 : i32
    %mul3A_9 = arith.constant 8 : i32
    %mul3A_10 = arith.muli %add3A_8, %mul3A_9 : i32
    %dma_wait3A = arith.constant 0 : i32
    %dma_wait3A_11 = arith.constant 0 : i32
    %dma_wait3A_12 = tpu.memref_slice %arg4[%mul3A_10, %dma_wait3A, %dma_wait3A_11] : memref<16384x56x128xf32, #tpu.memory_space<hbm>> -> memref<8x50x64xf32, #tpu.memory_space<hbm>>
    %dma_wait3A_13 = arith.constant 0 : i32
    %dma_wait3A_14 = arith.constant 0 : i32
    %dma_wait3A_15 = tpu.memref_slice %arg4[%mul3A_10, %dma_wait3A_13, %dma_wait3A_14] : memref<16384x56x128xf32, #tpu.memory_space<hbm>> -> memref<8x50x64xf32, #tpu.memory_space<hbm>>
    tpu.wait_dma2 semaphore(%arg10 : memref<!tpu.dma_semaphore, #tpu.memory_space<semaphore_mem>>) src(%dma_wait3A_15 : memref<8x50x64xf32, #tpu.memory_space<hbm>>) dst(%arg8 : memref<8x50x64xf32, #tpu.memory_space<vmem>>)
    %add3A_16 = arith.constant 63 : i32
    %add3A_17 = arith.addi %mul3A_2, %add3A_16 : i32
    %mul3A_18 = arith.constant 8 : i32
    %mul3A_19 = arith.muli %add3A_17, %mul3A_18 : i32
    %dma_start3A = arith.constant 0 : i32
    %dma_start3A_20 = arith.constant 0 : i32
    %dma_start3A_21 = tpu.memref_slice %arg4[%mul3A_19, %dma_start3A, %dma_start3A_20] : memref<16384x56x128xf32, #tpu.memory_space<hbm>> -> memref<8x50x64xf32, #tpu.memory_space<hbm>>
    %dma_start3A_22 = arith.constant 0 : i32
    %dma_start3A_23 = arith.constant 0 : i32
    %dma_start3A_24 = tpu.memref_slice %arg4[%mul3A_19, %dma_start3A_22, %dma_start3A_23] : memref<16384x56x128xf32, #tpu.memory_space<hbm>> -> memref<8x50x64xf32, #tpu.memory_space<hbm>>
    tpu.enqueue_dma source(%arg8 : memref<8x50x64xf32, #tpu.memory_space<vmem>>) target(%dma_start3A_24 : memref<8x50x64xf32, #tpu.memory_space<hbm>>) target_semaphore(%arg12 : memref<!tpu.dma_semaphore, #tpu.memory_space<semaphore_mem>>)
    %add3A_25 = arith.constant 0 : i32
    %add3A_26 = arith.addi %mul3A_2, %add3A_25 : i32
    %mul3A_27 = arith.constant 8 : i32
    %mul3A_28 = arith.muli %add3A_26, %mul3A_27 : i32
    %dma_wait3A_29 = arith.constant 0 : i32
    %dma_wait3A_30 = arith.constant 0 : i32
    %dma_wait3A_31 = tpu.memref_slice %arg4[%mul3A_28, %dma_wait3A_29, %dma_wait3A_30] : memref<16384x56x128xf32, #tpu.memory_space<hbm>> -> memref<8x50x64xf32, #tpu.memory_space<hbm>>
    %dma_wait3A_32 = arith.constant 0 : i32
    %dma_wait3A_33 = arith.constant 0 : i32
    %dma_wait3A_34 = tpu.memref_slice %arg4[%mul3A_28, %dma_wait3A_32, %dma_wait3A_33] : memref<16384x56x128xf32, #tpu.memory_space<hbm>> -> memref<8x50x64xf32, #tpu.memory_space<hbm>>
    tpu.wait_dma2 semaphore(%arg11 : memref<!tpu.dma_semaphore, #tpu.memory_space<semaphore_mem>>) src(%arg7 : memref<8x50x64xf32, #tpu.memory_space<vmem>>) dst(%dma_wait3A_34 : memref<8x50x64xf32, #tpu.memory_space<hbm>>)
    %add3A_35 = arith.constant 0 : i32
    %add3A_36 = arith.addi %mul3A_2, %add3A_35 : i32
    %mul3A_37 = arith.constant 8 : i32
    %mul3A_38 = arith.muli %add3A_36, %mul3A_37 : i32
    %dma_wait3A_39 = arith.constant 0 : i32
    %dma_wait3A_40 = arith.constant 0 : i32
    %dma_wait3A_41 = tpu.memref_slice %arg4[%mul3A_38, %dma_wait3A_39, %dma_wait3A_40] : memref<16384x56x128xf32, #tpu.memory_space<hbm>> -> memref<8x50x64xf32, #tpu.memory_space<hbm>>
    %dma_wait3A_42 = arith.constant 0 : i32
    %dma_wait3A_43 = arith.constant 0 : i32
    %dma_wait3A_44 = tpu.memref_slice %arg4[%mul3A_38, %dma_wait3A_42, %dma_wait3A_43] : memref<16384x56x128xf32, #tpu.memory_space<hbm>> -> memref<8x50x64xf32, #tpu.memory_space<hbm>>
    tpu.wait_dma2 semaphore(%arg12 : memref<!tpu.dma_semaphore, #tpu.memory_space<semaphore_mem>>) src(%arg8 : memref<8x50x64xf32, #tpu.memory_space<vmem>>) dst(%dma_wait3A_44 : memref<8x50x64xf32, #tpu.memory_space<hbm>>)
    return
  }
}

</mosaic_0001>

<sc_bundles>
// kernel: kernel.3.cloned.1.call-start
scs
__scs_entry_jumppad:
0x0: {  	(pc) =	sbr.rel $0x88, $3  }
0x1: {  	(tag) =	ssettag $0x0;
	lr =	simm.s32 $0x1  }
0x2: {  	[smem:$0x3F9F] =	sst lr;
	_ =	strace $0xD0000000  }
0x3: {  	_ = 	snop  }
0x4: {  	_ = 	snop  }
0x5: {  	_ = 	snop  }
0x6: {  	_ = 	snop  }
0x7: {  	_ = 	snop  }
__scs_overlays_trampoline_lowered:
0x8: {  	[smem:$0x3FAE] =	sst s0  }
0x9: {  	[smem:$0x3FAF] =	sst s1  }
0xa: {  	[smem:$0x3FB0] =	sst s2  }
0xb: {  	[smem:$0x3FB1] =	sst s3  }
0xc: {  	[smem:$0x3FB2] =	sst s4  }
0xd: {  	[smem:$0x3FB3] =	sst s5  }
0xe: {  	[smem:$0x3FB4] =	sst s6  }
0xf: {  	[smem:$0x3FB5] =	sst s7  }
0x10: {  	[smem:$0x3FB6] =	sst s8  }
0x11: {  	[smem:$0x3FB7] =	sst s9;
	s0 =	simm.s32 @!p0 $0x0  }
0x12: {  	s1 =	sld [smem:$0x3F9D];
	s0 =	simm.s32 @p0 $0x1  }
0x13: {  	[smem:$0x3FB8] =	sst s0;
	s0 =	simm.s32 @!p1 $0x0  }
0x14: {  	s2 =	sld [smem:$0x3F9C];
	s0 =	simm.s32 @p1 $0x1  }
0x15: {  	[smem:$0x3FB9] =	sst s0;
	s0 =	simm.s32 @!p2 $0x0  }
0x16: {  	s3 =	sld [smem:$0x3FDB];
	s0 =	simm.s32 @p2 $0x1  }
0x17: {  	s4 =	simm.s32 $0x1BF5;
	[smem:$0x3FBB] =	sst s0  }
0x18: {  	s0 =	sld [smem:$0x3F9E];
	_ =	swait.ge [sflag:s4], $0x0  }
0x19: {  	s7 =	sld [smem:$0x3F9F]  }
0x1a: {  	s8 =	sadd.s32 $0xFFFFE003, lr  }
0x1b: {  	s9 =	sadd.s32 $0xFFFFFEF7, lr;
	s5 =	simm.s32 $0xFFFFFFFF;
	p2 =	slt.u32 s8, $0xFFFFF086  }
0x1c: {  	p1 =	slt.u32 s9, $0xF7A;
	s5 =	simm.s32 @!p2 $0x0  }
0x1d: {  	s5 =	simm.s32 @p1 $0x1;
	p0 =	seq.s32 s7, s2  }
0x1e: {  	s7 =	smul.u32 @!p0 $0xF7A, s2;
	p2 =	seq.s32 @!p0 s5, $0x0  }
0x1f: {  	s9 =	smul.u32 $0xF7A, s1;
	s8 =	simm.s32 @!p0 $0x1BF5;
	p2 =	por !p2, p0  }
0x20: {  	[sflag:s8] =	ssyncset.s32 @!p0 $0xFFFFF086;
	s6 =	sadd.s32 @!p0 s3, s7;
	s7 =	simm.s32 @!p0 $0x108  }
0x21: {  	s3 =	sadd.s32 s3, s9;
	s6 =	sadd.s32 @!p0 $0x88, s6;
	s7 =	simm.s32 @p2 $0x1082  }
0x22: {  	[simem:s7], [sflag:s8] =	dma.local @!p0 [hbm:s6], $0xF7A  }
0x23: {  	s9 =	sor.u32 $0xD0000000, s2;
	s6 =	simm.s32 $0x108;
	_ =	swait.ge @!p0 [sflag:s8], $0x0  }
0x24: {  	s3 =	sadd.s32 $0x88, s3;
	s6 =	simm.s32 @!p1 $0x1082;
	[sflag:s4] =	ssyncset.s32 $0xFFFFF086  }
0x25: {  	[simem:s6], [sflag:s4] =	dma.local [hbm:s3], $0xF7A  }
0x26: {  	[smem:$0x3F9F] =	sst s1;
	(tag) =	ssettag s2;
	_ =	strace s9  }
0x27: {  	s1 =	sld [smem:$0x3FAF]  }
0x28: {  	s2 =	sld [smem:$0x3FB0]  }
0x29: {  	s4 =	sld [smem:$0x3FB2]  }
0x2a: {  	p0 =	seq.s32 s5, $0x0;
	s5 =	sld [smem:$0x3FB3]  }
0x2b: {  	s6 =	sld [smem:$0x3FB4]  }
0x2c: {  	s7 =	sld [smem:$0x3FB5]  }
0x2d: {  	s3 =	simm.s32 $0x108;
	s8 =	sld [smem:$0x3FB6]  }
0x2e: {  	s3 =	simm.s32 @!p0 $0x1082;
	s9 =	sld [smem:$0x3FB7]  }
0x2f: {  	lr =	sadd.s32 s0, s3;
	s0 =	sld [smem:$0x3FAE]  }
0x30: {  	s3 =	sld [smem:$0x3FB1]  }
0x31: {  	[smem:$0x3FBA] =	sst s10  }
0x32: {  	s10 =	sld [smem:$0x3FB8];
	_ =	sdelay $0x3  }
0x33: {  	p0 =	seq.s32 s10, $0x1;
	s10 =	sld [smem:$0x3FBA];
	_ =	sdelay $0x3  }
0x34: {  	[smem:$0x3FBA] =	sst s10  }
0x35: {  	s10 =	sld [smem:$0x3FB9];
	_ =	sdelay $0x3  }
0x36: {  	p1 =	seq.s32 s10, $0x1;
	s10 =	sld [smem:$0x3FBA];
	_ =	sdelay $0x3  }
0x37: {  	[smem:$0x3FBA] =	sst s10  }
0x38: {  	s10 =	sld [smem:$0x3FBB]  }
0x39: {  	_ = 	snop;
	(pc) =	sbr.ind lr, $3  }
0x3a: {  	_ = 	snop  }
0x3b: {  	_ = 	snop  }
0x3c: {  	p2 =	seq.s32 s10, $0x1;
	s10 =	sld [smem:$0x3FBA]  }
0x3d: {  	_ =	shalt  }
0x3e: {  	_ =	shalt  }
0x3f: {  	_ =	shalt  }
0x40: {  	_ =	shalt  }
0x41: {  	_ =	shalt  }
0x42: {  	_ =	shalt  }
0x43: {  	_ =	shalt  }
0x44: {  	_ =	shalt  }
0x45: {  	_ =	shalt  }
0x46: {  	_ =	shalt  }
0x47: {  	_ =	shalt  }
0x48: {  	_ =	shalt  }
0x49: {  	_ =	shalt  }
0x4a: {  	_ =	shalt  }
0x4b: {  	_ =	shalt  }
0x4c: {  	_ =	shalt  }
0x4d: {  	_ =	shalt  }
0x4e: {  	_ =	shalt  }
0x4f: {  	_ =	shalt  }
0x50: {  	_ =	shalt  }
0x51: {  	_ =	shalt  }
0x52: {  	_ =	shalt  }
0x53: {  	_ =	shalt  }
0x54: {  	_ =	shalt  }
0x55: {  	_ =	shalt  }
0x56: {  	_ =	shalt  }
0x57: {  	_ =	shalt  }
0x58: {  	_ =	shalt  }
0x59: {  	_ =	shalt  }
0x5a: {  	_ =	shalt  }
0x5b: {  	_ =	shalt  }
0x5c: {  	_ =	shalt  }
0x5d: {  	_ =	shalt  }
0x5e: {  	_ =	shalt  }
0x5f: {  	_ =	shalt  }
0x60: {  	_ =	shalt  }
0x61: {  	_ =	shalt  }
0x62: {  	_ =	shalt  }
0x63: {  	_ =	shalt  }
0x64: {  	_ =	shalt  }
0x65: {  	_ =	shalt  }
0x66: {  	_ =	shalt  }
0x67: {  	_ =	shalt  }
0x68: {  	_ =	shalt  }
0x69: {  	_ =	shalt  }
0x6a: {  	_ =	shalt  }
0x6b: {  	_ =	shalt  }
0x6c: {  	_ =	shalt  }
0x6d: {  	_ =	shalt  }
0x6e: {  	_ =	shalt  }
0x6f: {  	_ =	shalt  }
0x70: {  	_ =	shalt  }
0x71: {  	_ =	shalt  }
0x72: {  	_ =	shalt  }
0x73: {  	_ =	shalt  }
0x74: {  	_ =	shalt  }
0x75: {  	_ =	shalt  }
0x76: {  	_ =	shalt  }
0x77: {  	_ =	shalt  }
0x78: {  	_ =	shalt  }
0x79: {  	_ =	shalt  }
0x7a: {  	_ =	shalt  }
0x7b: {  	_ =	shalt  }
0x7c: {  	_ =	shalt  }
0x7d: {  	_ =	shalt  }
0x7e: {  	_ =	shalt  }
0x7f: {  	_ =	shalt  }
0x80: {  	_ =	shalt  }
0x81: {  	_ =	shalt  }
0x82: {  	_ =	shalt  }
0x83: {  	_ =	shalt  }
0x84: {  	_ =	shalt  }
0x85: {  	_ =	shalt  }
0x86: {  	_ =	shalt  }
0x87: {  	_ =	shalt  }
.Lfunc_end0:
.L_simem_size_0:
called_computation.2_lowered:
.L_overlay_start_0:
0x88: {  	s2 =	sld [smem:$0x3FD9]  }
0x89: {  	s3 =	sld [smem:$0x3FFE];
	_ =	sdelay $0x1  }
0x8a: {  	s1 =	srdreg.scid  }
0x8b: {  	s0 =	sand.u32 $0x1, s1  }
0x8c: {  	s17 =	sshll.u32 s0, $0xA;
	s2 =	sadd.s32 s3, s2  }
0x8d: {  	s2 =	sadd.s32 s2, s17  }
0x8e: {  	[smem:$0x3FC6] =	sst s2  }
0x8f: {  	_ = 	snop  }
0x90: {  	s2 =	sld [smem:$0x3FD0];
	(tm) =	ssettm $0x1  }
0x91: {  	s18 =	sld [smem:$0x3FFB];
	_ =	sdelay $0x3  }
0x92: {  	_ =	strace s18  }
0x93: {  	s3 =	sld [smem:$0x3FFC];
	_ =	sdelay $0x3  }
0x94: {  	_ =	strace s3  }
0x95: {  	s3 =	sld [smem:$0x3FFD];
	_ =	sdelay $0x3  }
0x96: {  	_ =	strace s3  }
0x97: {  	_ =	strace $0x8FFFFFFF  }
0x98: {  	s19 =	sld [smem:$0x3FDB];
	_ =	sdelay $0x1  }
0x99: {  	s4 =	simm.s32 $_scs_section_size  }
0x9a: {  	s5 =	simm.s32 $_size__tile_overlayer_lowered;
	s6 =	simm.s32 $_tile_overlayer_lowered  }
0x9b: {  	s22 =	simm.s32 $0x1BFF;
	s21 =	sshll.u32 s6, $0x1;
	s3 =	sadd.s32 s4, s19  }
0x9c: {  	s7 =	simm.s32 $0x0;
	s20 =	sshll.u32 s5, $0x1;
	s5 =	sadd.s32 s21, s3  }
0x9d: {  	[timem:s7], [sflag:s22] =	dma.local [hbm:s5], s20  }
0x9e: {  	_ =	swait.ge [sflag:s22], s20  }
0x9f: {  	s4 =	ssub.s32 $0x0, s20;
	[sflag:s22] =	ssyncset.done $0x0  }
0xa0: {  	[sflag:s22] =	ssyncadd.s32 s4;
	_ =	sdelay $0x1  }
0xa1: {  	s23 =	simm.s32 $0x1B8B  }
0xa2: {  	_ =	swait.ge [sflag:s23], $0x1  }
0xa3: {  	[sflag:s23] =	ssyncset.done $0x0  }
0xa4: {  	s25 =	simm.s32 $0x1B8E;
	s24 =	sld [smem:$0x3FFE];
	[sflag:s23] =	ssyncadd.s32 $0xFFFFFFFF  }
0xa5: {  	s26 =	simm.s32 $execute0_lowered;
	[smem:$0x3FD2] =	sst s25  }
0xa6: {  	s5 =	sshll.u32 s26, $0x1;
	_ =	strace $0x80000049;
	[dreg:$0x1] =	wrdreg $0xFFFFFFFF  }
0xa7: {  	s28 =	simm.s32 $_size_execute0_lowered;
	s3 =	sadd.s32 s3, s5;
	[dreg:$0x0] =	wrdreg $0x0  }
0xa8: {  	s5 =	sshll.u32 s28, $0x1;
	[dreg:$0x2] =	wrdreg s3  }
0xa9: {  	[dreg:$0x3] =	wrdreg s5  }
0xaa: {  	[dreg:$0x4] =	wrdreg $0xC0  }
0xab: {  	_ =	task [dreg:s7], $0x5FFFF  }
0xac: {  	[dreg:$0x1] =	wrdreg $0xFFFFFFFF  }
0xad: {  	[dreg:$0x0] =	wrdreg $0x60  }
0xae: {  	[dreg:$0x2] =	wrdreg s2  }
0xaf: {  	[dreg:$0x3] =	wrdreg s24  }
0xb0: {  	[dreg:$0x4] =	wrdreg $0x9  }
0xb1: {  	_ =	task.clear_ibuf [dreg:s7], $0x5FFFF;
	_ =	strace $0x90000049  }
0xb2: {  	s29 =	simm.s32 $0x9;
	_ =	strace $0x8000004B  }
0xb3: {  	_ =	swait.ge [sflag:s29], $0x1  }
0xb4: {  	[sflag:s29] =	ssyncadd.s32 $0xFFFFFFFF  }
0xb5: {  	_ =	strace $0x9000004B  }
0xb6: {  	_ =	sfence  }
0xb7: {  	s30 =	sld [smem:$0x0];
	_ =	sdelay $0x2  }
0xb8: {  	s31 =	sshll.u32 s1, $0xD;
	s1 =	sshrl.u32 s1, $0x2  }
0xb9: {  	s3 =	sand.u32 $0x4000, s31;
	s1 =	sadd.s32 s1, s30  }
0xba: {  	s0 =	sor.u32 s3, s0;
	s1 =	sshll.u32 s1, $0x11  }
0xbb: {  	s0 =	sor.u32 s1, s0  }
0xbc: {  	s0 =	sadd.s32 $0x8F2B, s0  }
0xbd: {  	[sflag:s0] =	ssyncadd.remote.s32 $0x1  }
0xbe: {  	_ =	sfence.sel $0xFFFF  }
0xbf: {  	[dreg:$0x0] =	wrdreg $0xFFFFFFFF;
	(pc) =	sbr.abs _section_cstart, $3  }
0xc0: {  	[dreg:$0x1] =	wrdreg $0xFFFFFFFF  }
0xc1: {  	_ =	task.clear_ibuf [dreg:s7], $0x2FFFF;
	_ =	strace $0x9FFFFFFF  }
0xc2: {  	(tm) =	ssettm $0x7FFFFFFF  }
0xc3: {  	_ =	shalt  }
tec
execute0_lowered:
.L_overlay_start_1:
0x0: {  	(tag) =	ssettag $0x1  }
0x1: {  	s8 =	rddreg [dreg:$0x0]  }
0x2: {  	s0 =	rddreg [dreg:$0x1];
	s1 =	srdreg.scid  }
0x3: {  	s3 =	stileid.u32;
	s5 =	simm.s32 $0x0;
	s16 =	simm.s32 $0x38  }
0x4: {  	s17 =	simm.s32 $0x70;
	s18 =	simm.s32 $0xA8;
	[smem:$0x7FF] =	sst s5  }
0x5: {  	s19 =	simm.s32 $0xE0;
	_ =	strace $0x8000004A;
	[dreg:$0x3] =	wrdreg s16  }
0x6: {  	s20 =	simm.s32 $0x118;
	s21 =	simm.s32 $0x150;
	[dreg:$0x4] =	wrdreg s17  }
0x7: {  	s22 =	simm.s32 $0x188;
	s24 =	simm.s32 $0x1F8;
	[dreg:$0x5] =	wrdreg s18  }
0x8: {  	s25 =	simm.s32 $0x230;
	s26 =	simm.s32 $0x268;
	[dreg:$0x6] =	wrdreg s19  }
0x9: {  	s28 =	simm.s32 $0x2A0;
	s29 =	simm.s32 $0x2D8;
	[dreg:$0x7] =	wrdreg s20  }
0xa: {  	s30 =	simm.s32 $0x310;
	s31 =	simm.s32 $0x348;
	[dreg:$0x8] =	wrdreg s21  }
0xb: {  	s1 =	sand.u32 $0x1, s1;
	s2 =	sshll.u32 s3, $0x7;
	[dreg:$0x9] =	wrdreg s22  }
0xc: {  	s5 =	sadd.s32 $0xF43200, s0;
	s7 =	smul.u32 $0xE0000, s3;
	[dreg:$0xa] =	wrdreg s24  }
0xd: {  	s12 =	sadd.s32 $0xE00, s0;
	s14 =	smul.u32 $0x1C00, s3;
	[dreg:$0xb] =	wrdreg s25  }
0xe: {  	s4 =	sshll.u32 s1, $0x6;
	s13 =	smul.u32 $0x70000, s1;
	[dreg:$0xc] =	wrdreg s26  }
0xf: {  	s9 =	ssub.s32 $0x2, s1;
	s1 =	smul.u32 $0xE00, s1;
	[dreg:$0xd] =	wrdreg s28  }
0x10: {  	[dreg:$0xe] =	wrdreg s29;
	s23 =	sor.u32 s4, s2;
	s10 =	sshrl.u32 s9, $0x1  }
0x11: {  	[dreg:$0xf] =	wrdreg s30;
	s2 =	smul.u32 $0xE000, s23;
	s0 =	ssub.s32 s9, s10  }
0x12: {  	[dreg:$0x10] =	wrdreg s31;
	s15 =	sadd.s32 s7, s12;
	s0 =	smax.u32 s0, $0x1  }
0x13: {  	s6 =	sshrl.u32 s2, $0x3;
	[dreg:$0x15] =	wrdreg s0;
	s2 =	sadd.s32 $0xFFFF2000, s2  }
0x14: {  	s0 =	sadd.s32 s14, s8;
	[dreg:$0x16] =	wrdreg s2;
	s2 =	sadd.s32 s13, s15  }
0x15: {  	s11 =	sadd.s32 s12, s6;
	s0 =	sadd.s32 s1, s0;
	[dreg:$0x17] =	wrdreg s2  }
0x16: {  	s13 =	simm.s32 $0x32;
	s4 =	sadd.s32 $0x6E400, s11;
	[dreg:$0x18] =	wrdreg s0  }
0x17: {  	s2 =	simm.s32 $0x0;
	[dreg:$0x14] =	wrdreg s4;
	s4 =	simm.s32 $0x5B00  }
.LBB2_1:
0x18: {  	p1 =	por $0x1, $0x1  }
0x19: {  	p0 =	por p1, p1  }
0x1a: {  	[dreg:$0x19] =	wrdreg s2;
	s0 =	simm.s32 @!p0 $0x3  }
0x1b: {  	_ =	swait.ge @!p0 [sflag:s0], $0x6400  }
0x1c: {  	s3 =	simm.s32 $0x0;
	[sflag:s0] =	ssyncset.done @!p0 $0x0  }
0x1d: {  	s8 =	simm.s32 $0x5;
	s14 =	rddreg [dreg:$0x18];
	[sflag:s0] =	ssyncadd.s32 @!p0 $0xFFFF9C00  }
0x1e: {  	[tilespmem:s3], [sflag:$0x5] =	stream.linear.gather [hbm4b:s14+s3], $0x1C0, $0x38;
	[tilespmem:$0xCB80] =	vst v63  }
0x1f: {  	_ =	swait.ge [sflag:s8], $0x1C0  }
0x20: {  	[sflag:s8] =	ssyncset.done $0x0  }
0x21: {  	s10 =	simm.s32 $0x380;
	s25 =	rddreg [dreg:$0x3];
	[sflag:s8] =	ssyncadd.s32 $0xFFFFFE40  }
0x22: {  	[tilespmem:s10], [sflag:$0x1] =	stream.indirect.gather [hbm4b:s5+s13], $0x40, s3, s13, $0xb8;
	[tilespmem:$0xCB80] =	vst v63  }
0x23: {  	s11 =	simm.s32 $0x1000;
	s26 =	rddreg [dreg:$0x4]  }
0x24: {  	[tilespmem:s11], [sflag:$0x1] =	stream.indirect.gather [hbm4b:s5+s13], $0x40, s25, s13, $0xb8;
	[tilespmem:$0xCB80] =	vst v63  }
0x25: {  	s15 =	simm.s32 $0x1C80;
	s1 =	rddreg [dreg:$0x5]  }
0x26: {  	[tilespmem:s15], [sflag:$0x1] =	stream.indirect.gather [hbm4b:s5+s13], $0x40, s26, s13, $0xb8;
	[tilespmem:$0xCB80] =	vst v63  }
0x27: {  	s16 =	simm.s32 $0x2900;
	s6 =	rddreg [dreg:$0x6]  }
0x28: {  	[tilespmem:s16], [sflag:$0x1] =	stream.indirect.gather [hbm4b:s5+s13], $0x40, s1, s13, $0xb8;
	[tilespmem:$0xCB80] =	vst v63  }
0x29: {  	s17 =	simm.s32 $0x3580;
	s7 =	rddreg [dreg:$0x7]  }
0x2a: {  	[tilespmem:s17], [sflag:$0x1] =	stream.indirect.gather [hbm4b:s5+s13], $0x40, s6, s13, $0xb8;
	[tilespmem:$0xCB80] =	vst v63  }
0x2b: {  	s18 =	simm.s32 $0x4200;
	s9 =	rddreg [dreg:$0x8]  }
0x2c: {  	[tilespmem:s18], [sflag:$0x1] =	stream.indirect.gather [hbm4b:s5+s13], $0x40, s7, s13, $0xb8;
	[tilespmem:$0xCB80] =	vst v63  }
0x2d: {  	s19 =	simm.s32 $0x4E80;
	s20 =	rddreg [dreg:$0x9]  }
0x2e: {  	[tilespmem:s19], [sflag:$0x1] =	stream.indirect.gather [hbm4b:s5+s13], $0x40, s9, s13, $0xb8;
	[tilespmem:$0xCB80] =	vst v63  }
0x2f: {  	s2 =	simm.s32 @!p0 $0x2;
	s1 =	rddreg [dreg:$0x16]  }
0x30: {  	[tilespmem:s4], [sflag:$0x1] =	stream.indirect.gather [hbm4b:s5+s13], $0x40, s20, s13, $0xb8;
	[tilespmem:$0xCB80] =	vst v63  }
0x31: {  	s0 =	sshrl.u32 @!p1 s1, $0x3;
	_ =	swait.ge @!p0 [sflag:s2], $0x6400  }
0x32: {  	s0 =	sadd.s32 @!p1 s12, s0;
	s6 =	simm.s32 @!p0 $0x80;
	[sflag:s2] =	ssyncset.done @!p0 $0x0  }
0x33: {  	s4 =	simm.s32 @!p0 $0x6780;
	[sflag:s2] =	ssyncadd.s32 @!p0 $0xFFFF9C00;
	s2 =	simm.s32 @!p0 $0x40  }
0x34: {  	[hbm4b:s0+s2] =	stream.strided.scatter @!p0 [tilespmem:s4], [sflag:$0x4], $0xC80, s6, s2, $0x38;
	[tilespmem:$0xCB80] =	vst v63  }
0x35: {  	s7 =	simm.s32 @!p0 $0x7400;
	s4 =	sadd.s32 @!p1 $0x380, s0  }
0x36: {  	[hbm4b:s4+s2] =	stream.strided.scatter @!p0 [tilespmem:s7], [sflag:$0x4], $0xC80, s6, s2, $0x38;
	[tilespmem:$0xCB80] =	vst v63  }
0x37: {  	s4 =	sadd.s32 @!p1 $0x700, s0;
	s7 =	simm.s32 @!p0 $0x8080  }
0x38: {  	[hbm4b:s4+s2] =	stream.strided.scatter @!p0 [tilespmem:s7], [sflag:$0x4], $0xC80, s6, s2, $0x38;
	[tilespmem:$0xCB80] =	vst v63  }
0x39: {  	s4 =	sadd.s32 @!p1 $0xA80, s0;
	s7 =	simm.s32 @!p0 $0x8D00  }
0x3a: {  	[hbm4b:s4+s2] =	stream.strided.scatter @!p0 [tilespmem:s7], [sflag:$0x4], $0xC80, s6, s2, $0x38;
	[tilespmem:$0xCB80] =	vst v63  }
0x3b: {  	s9 =	simm.s32 @!p0 $0x9980;
	s7 =	sadd.s32 @!p1 $0xE00, s0  }
0x3c: {  	[hbm4b:s7+s2] =	stream.strided.scatter @!p0 [tilespmem:s9], [sflag:$0x4], $0xC80, s6, s2, $0x38;
	[tilespmem:$0xCB80] =	vst v63  }
0x3d: {  	s7 =	sadd.s32 @!p1 $0x1180, s0;
	s9 =	simm.s32 @!p0 $0xA600  }
0x3e: {  	[hbm4b:s7+s2] =	stream.strided.scatter @!p0 [tilespmem:s9], [sflag:$0x4], $0xC80, s6, s2, $0x38;
	[tilespmem:$0xCB80] =	vst v63  }
0x3f: {  	s4 =	simm.s32 $0x1;
	s7 =	sadd.s32 @!p1 $0x1500, s0;
	s9 =	simm.s32 @!p0 $0xB280  }
0x40: {  	[hbm4b:s7+s2] =	stream.strided.scatter @!p0 [tilespmem:s9], [sflag:$0x4], $0xC80, s6, s2, $0x38;
	[tilespmem:$0xCB80] =	vst v63  }
0x41: {  	s0 =	sadd.s32 @!p1 $0x1880, s0;
	s7 =	simm.s32 @!p0 $0xBF00;
	s9 =	simm.s32 @!p0 $0x4  }
0x42: {  	[hbm4b:s0+s2] =	stream.strided.scatter @!p0 [tilespmem:s7], [sflag:$0x4], $0xC80, s6, s2, $0x38;
	[tilespmem:$0xCB80] =	vst v63  }
0x43: {  	s4 =	simm.s32 @p1 $0x1;
	_ =	swait.ge @!p0 [sflag:s9], $0x6400  }
0x44: {  	s4 =	sadd.s32 s23, s4;
	[sflag:s9] =	ssyncset.done @!p0 $0x0  }
0x45: {  	s21 =	smul.u32 $0x38, s4;
	[sflag:s9] =	ssyncadd.s32 @!p0 $0xFFFF9C00  }
0x46: {  	s22 =	rddreg [dreg:$0x0]  }
0x47: {  	s24 =	simm.s32 $0x1C0;
	s0 =	sadd.s32 s22, s21  }
0x48: {  	[tilespmem:s24], [sflag:$0x5] =	stream.linear.gather [hbm4b:s0+s3], $0x1C0, $0x38;
	[tilespmem:$0xCB80] =	vst v63  }
0x49: {  	_ =	swait.ge [sflag:s8], $0x1C0  }
0x4a: {  	[sflag:s8] =	ssyncset.done $0x0  }
0x4b: {  	s26 =	simm.s32 $0x6780;
	[sflag:s8] =	ssyncadd.s32 $0xFFFFFE40  }
0x4c: {  	[tilespmem:s26], [sflag:$0x2] =	stream.indirect.gather [hbm4b:s5+s13], $0x40, s24, s13, $0xb8;
	[tilespmem:$0xCB80] =	vst v63  }
0x4d: {  	s31 =	simm.s32 $0x5;
	s6 =	simm.s32 $0x7400;
	s25 =	rddreg [dreg:$0xa]  }
0x4e: {  	[tilespmem:s6], [sflag:$0x2] =	stream.indirect.gather [hbm4b:s5+s13], $0x40, s25, s13, $0xb8;
	[tilespmem:$0xCB80] =	vst v63  }
0x4f: {  	s30 =	sadd.s32 $0x1C000, s1;
	s4 =	rddreg [dreg:$0xb];
	s8 =	simm.s32 $0x8080  }
0x50: {  	[tilespmem:s8], [sflag:$0x2] =	stream.indirect.gather [hbm4b:s5+s13], $0x40, s4, s13, $0xb8;
	[tilespmem:$0xCB80] =	vst v63  }
0x51: {  	s20 =	simm.s32 $0x8D00;
	p0 =	por $0x0, $0x0;
	s7 =	rddreg [dreg:$0xc]  }
0x52: {  	[tilespmem:s20], [sflag:$0x2] =	stream.indirect.gather [hbm4b:s5+s13], $0x40, s7, s13, $0xb8;
	[tilespmem:$0xCB80] =	vst v63  }
0x53: {  	s2 =	sshrl.u32 @!p0 s30, $0x3;
	s22 =	simm.s32 $0x9980;
	s9 =	rddreg [dreg:$0xd]  }
0x54: {  	[tilespmem:s22], [sflag:$0x2] =	stream.indirect.gather [hbm4b:s5+s13], $0x40, s9, s13, $0xb8;
	[tilespmem:$0xCB80] =	vst v63  }
0x55: {  	s0 =	simm.s32 $0x3;
	s21 =	rddreg [dreg:$0xe];
	s25 =	simm.s32 $0xA600  }
0x56: {  	[tilespmem:s25], [sflag:$0x2] =	stream.indirect.gather [hbm4b:s5+s13], $0x40, s21, s13, $0xb8;
	[tilespmem:$0xCB80] =	vst v63  }
0x57: {  	s0 =	simm.s32 @p0 $0x1;
	s24 =	rddreg [dreg:$0xf];
	s4 =	simm.s32 $0xB280  }
0x58: {  	[tilespmem:s4], [sflag:$0x2] =	stream.indirect.gather [hbm4b:s5+s13], $0x40, s24, s13, $0xb8;
	[tilespmem:$0xCB80] =	vst v63  }
0x59: {  	s26 =	rddreg [dreg:$0x10];
	s6 =	simm.s32 $0xBF00;
	s7 =	simm.s32 $0x1  }
0x5a: {  	[tilespmem:s6], [sflag:$0x2] =	stream.indirect.gather [hbm4b:s5+s13], $0x40, s26, s13, $0xb8;
	[tilespmem:$0xCB80] =	vst v63  }
0x5b: {  	s0 =	sadd.s32 s23, s0;
	s8 =	simm.s32 $0x40;
	_ =	swait.ge [sflag:s7], $0x6400  }
0x5c: {  	s9 =	simm.s32 $0x80;
	[sflag:s7] =	ssyncset.done $0x0;
	s1 =	rddreg [dreg:$0x17]  }
0x5d: {  	[sflag:s7] =	ssyncadd.s32 $0xFFFF9C00;
	s7 =	sadd.s32 @!p0 s12, s2;
	s20 =	sadd.s32 $0xA80, s1  }
0x5e: {  	s21 =	sadd.s32 $0xE00, s1;
	s22 =	sadd.s32 $0x1180, s1;
	s24 =	sadd.s32 $0x1500, s1  }
0x5f: {  	[hbm4b:s1+s8] =	stream.strided.scatter [tilespmem:s10], [sflag:$0x3], $0xC80, s9, s8, $0x38;
	[tilespmem:$0xCB80] =	vst v63  }
0x60: {  	s4 =	sadd.s32 $0x1880, s1;
	s10 =	sadd.s32 $0x380, s1;
	s2 =	sadd.s32 @!p0 $0x380, s7  }
0x61: {  	[hbm4b:s10+s8] =	stream.strided.scatter [tilespmem:s11], [sflag:$0x3], $0xC80, s9, s8, $0x38;
	[tilespmem:$0xCB80] =	vst v63  }
0x62: {  	s26 =	sadd.s32 @!p0 $0xE00, s7;
	s25 =	sadd.s32 @!p0 $0x1180, s7;
	s11 =	sadd.s32 $0x700, s1  }
0x63: {  	[hbm4b:s11+s8] =	stream.strided.scatter [tilespmem:s15], [sflag:$0x3], $0xC80, s9, s8, $0x38;
	[tilespmem:$0xCB80] =	vst v63  }
0x64: {  	s28 =	sadd.s32 @!p0 $0x1500, s7;
	[dreg:$0x11] =	wrdreg s2;
	s2 =	sadd.s32 @!p0 $0x700, s7  }
0x65: {  	[hbm4b:s20+s8] =	stream.strided.scatter [tilespmem:s16], [sflag:$0x3], $0xC80, s9, s8, $0x38;
	[tilespmem:$0xCB80] =	vst v63  }
0x66: {  	s29 =	sadd.s32 @!p0 $0x1880, s7;
	[dreg:$0x13] =	wrdreg s2;
	s2 =	sadd.s32 @!p0 $0xA80, s7  }
0x67: {  	[hbm4b:s21+s8] =	stream.strided.scatter [tilespmem:s17], [sflag:$0x3], $0xC80, s9, s8, $0x38;
	[tilespmem:$0xCB80] =	vst v63  }
0x68: {  	s10 =	smov.u32 s7;
	p0 =	por p0, p0;
	[dreg:$0x12] =	wrdreg s2  }
0x69: {  	[hbm4b:s22+s8] =	stream.strided.scatter [tilespmem:s18], [sflag:$0x3], $0xC80, s9, s8, $0x38;
	[tilespmem:$0xCB80] =	vst v63  }
0x6a: {  	s11 =	sadd.s32 $0x3800, s1;
	s21 =	smul.u32 $0x38, s0;
	s0 =	sadd.s32 $0x70, s14  }
0x6b: {  	[hbm4b:s24+s8] =	stream.strided.scatter [tilespmem:s19], [sflag:$0x3], $0xC80, s9, s8, $0x38;
	[tilespmem:$0xCB80] =	vst v63  }
.LBB2_2:
0x6c: {  	s3 =	simm.s32 $0x5B00;
	s9 =	simm.s32 $0x40;
	s7 =	simm.s32 $0x80  }
0x6d: {  	[hbm4b:s4+s9] =	stream.strided.scatter [tilespmem:s3], [sflag:$0x3], $0xC80, s7, s9, $0x38;
	[tilespmem:$0xCB80] =	vst v63  }
0x6e: {  	s4 =	simm.s32 @!p0 $0x3  }
0x6f: {  	s14 =	smov.u32 s31;
	_ =	swait.ge @!p0 [sflag:s4], $0x6400  }
0x70: {  	p2 =	seq.s32 s31, $0x1;
	s30 =	sadd.s32 $0x1C000, s30;
	[sflag:s4] =	ssyncset.done @!p0 $0x0  }
0x71: {  	s22 =	simm.s32 $0x0;
	s8 =	simm.s32 $0x5;
	[sflag:s4] =	ssyncadd.s32 @!p0 $0xFFFF9C00  }
0x72: {  	[tilespmem:s22], [sflag:$0x5] =	stream.linear.gather [hbm4b:s0+s22], $0x1C0, $0x38;
	[tilespmem:$0xCB80] =	vst v63  }
0x73: {  	s2 =	smov.u32 s21;
	s1 =	simm.s32 $0x380;
	_ =	swait.ge [sflag:s8], $0x1C0  }
0x74: {  	s24 =	simm.s32 $0x1000;
	s6 =	sshrl.u32 @!p2 s30, $0x3;
	[sflag:s8] =	ssyncset.done $0x0  }
0x75: {  	s14 =	simm.s32 @p2 $0x1;
	s20 =	sadd.s32 @!p2 s12, s6;
	[sflag:s8] =	ssyncadd.s32 $0xFFFFFE40  }
0x76: {  	[tilespmem:s1], [sflag:$0x1] =	stream.indirect.gather [hbm4b:s5+s13], $0x40, s22, s13, $0xb8;
	[tilespmem:$0xCB80] =	vst v63  }
0x77: {  	s14 =	sadd.s32 s23, s14;
	s21 =	rddreg [dreg:$0x3];
	s1 =	smov.u32 s12  }
0x78: {  	[tilespmem:s24], [sflag:$0x1] =	stream.indirect.gather [hbm4b:s5+s13], $0x40, s21, s13, $0xb8;
	[tilespmem:$0xCB80] =	vst v63  }
0x79: {  	s12 =	smov.u32 s23;
	s23 =	rddreg [dreg:$0x4];
	s24 =	simm.s32 $0x1C80  }
0x7a: {  	[tilespmem:s24], [sflag:$0x1] =	stream.indirect.gather [hbm4b:s5+s13], $0x40, s23, s13, $0xb8;
	[tilespmem:$0xCB80] =	vst v63  }
0x7b: {  	s21 =	rddreg [dreg:$0x5];
	s24 =	simm.s32 $0x2900  }
0x7c: {  	[tilespmem:s24], [sflag:$0x1] =	stream.indirect.gather [hbm4b:s5+s13], $0x40, s21, s13, $0xb8;
	[tilespmem:$0xCB80] =	vst v63  }
0x7d: {  	s19 =	sadd.s32 @!p2 $0x380, s20;
	s23 =	rddreg [dreg:$0x6];
	s24 =	simm.s32 $0x3580  }
0x7e: {  	[tilespmem:s24], [sflag:$0x1] =	stream.indirect.gather [hbm4b:s5+s13], $0x40, s23, s13, $0xb8;
	[tilespmem:$0xCB80] =	vst v63  }
0x7f: {  	s17 =	sadd.s32 @!p2 $0x700, s20;
	s21 =	rddreg [dreg:$0x7];
	s24 =	simm.s32 $0x4200  }
0x80: {  	[tilespmem:s24], [sflag:$0x1] =	stream.indirect.gather [hbm4b:s5+s13], $0x40, s21, s13, $0xb8;
	[tilespmem:$0xCB80] =	vst v63  }
0x81: {  	s18 =	sadd.s32 @!p2 $0xA80, s20;
	s23 =	rddreg [dreg:$0x8];
	s24 =	simm.s32 $0x4E80  }
0x82: {  	[tilespmem:s24], [sflag:$0x1] =	stream.indirect.gather [hbm4b:s5+s13], $0x40, s23, s13, $0xb8;
	[tilespmem:$0xCB80] =	vst v63  }
0x83: {  	s16 =	sadd.s32 @!p2 $0xE00, s20;
	s21 =	rddreg [dreg:$0x9];
	s23 =	simm.s32 @!p0 $0x2  }
0x84: {  	[tilespmem:s3], [sflag:$0x1] =	stream.indirect.gather [hbm4b:s5+s13], $0x40, s21, s13, $0xb8;
	[tilespmem:$0xCB80] =	vst v63  }
0x85: {  	s15 =	sadd.s32 @!p2 $0x1180, s20;
	s6 =	sadd.s32 @!p2 $0x1500, s20;
	_ =	swait.ge @!p0 [sflag:s23], $0x6400  }
0x86: {  	s4 =	sadd.s32 @!p2 $0x1880, s20;
	s21 =	simm.s32 @!p0 $0x6780;
	[sflag:s23] =	ssyncset.done @!p0 $0x0  }
0x87: {  	s3 =	simm.s32 @!p0 $0x80;
	[sflag:s23] =	ssyncadd.s32 @!p0 $0xFFFF9C00;
	s23 =	simm.s32 @!p0 $0x40  }
0x88: {  	[hbm4b:s10+s23] =	stream.strided.scatter @!p0 [tilespmem:s21], [sflag:$0x4], $0xC80, s3, s23, $0x38;
	[tilespmem:$0xCB80] =	vst v63  }
0x89: {  	s21 =	simm.s32 @!p0 $0x7400;
	s10 =	smov.u32 s20;
	s20 =	rddreg [dreg:$0x11]  }
0x8a: {  	[hbm4b:s20+s23] =	stream.strided.scatter @!p0 [tilespmem:s21], [sflag:$0x4], $0xC80, s3, s23, $0x38;
	[tilespmem:$0xCB80] =	vst v63  }
0x8b: {  	s24 =	smov.u32 s19;
	s19 =	rddreg [dreg:$0x13];
	s20 =	simm.s32 @!p0 $0x8080  }
0x8c: {  	[hbm4b:s19+s23] =	stream.strided.scatter @!p0 [tilespmem:s20], [sflag:$0x4], $0xC80, s3, s23, $0x38;
	[tilespmem:$0xCB80] =	vst v63  }
0x8d: {  	s21 =	smov.u32 s17;
	s17 =	rddreg [dreg:$0x12];
	s19 =	simm.s32 @!p0 $0x8D00  }
0x8e: {  	[hbm4b:s17+s23] =	stream.strided.scatter @!p0 [tilespmem:s19], [sflag:$0x4], $0xC80, s3, s23, $0x38;
	[tilespmem:$0xCB80] =	vst v63  }
0x8f: {  	[dreg:$0x11] =	wrdreg s24;
	s24 =	smov.u32 s18;
	s17 =	simm.s32 @!p0 $0x9980  }
0x90: {  	[hbm4b:s26+s23] =	stream.strided.scatter @!p0 [tilespmem:s17], [sflag:$0x4], $0xC80, s3, s23, $0x38;
	[tilespmem:$0xCB80] =	vst v63  }
0x91: {  	[dreg:$0x12] =	wrdreg s24;
	s17 =	simm.s32 @!p0 $0xA600  }
0x92: {  	[hbm4b:s25+s23] =	stream.strided.scatter @!p0 [tilespmem:s17], [sflag:$0x4], $0xC80, s3, s23, $0x38;
	[tilespmem:$0xCB80] =	vst v63  }
0x93: {  	[dreg:$0x13] =	wrdreg s21;
	s26 =	smov.u32 s16;
	s16 =	simm.s32 @!p0 $0xB280  }
0x94: {  	[hbm4b:s28+s23] =	stream.strided.scatter @!p0 [tilespmem:s16], [sflag:$0x4], $0xC80, s3, s23, $0x38;
	[tilespmem:$0xCB80] =	vst v63  }
0x95: {  	s25 =	smov.u32 s15;
	s15 =	simm.s32 @!p0 $0xBF00;
	s16 =	simm.s32 @!p0 $0x4  }
0x96: {  	[hbm4b:s29+s23] =	stream.strided.scatter @!p0 [tilespmem:s15], [sflag:$0x4], $0xC80, s3, s23, $0x38;
	[tilespmem:$0xCB80] =	vst v63  }
0x97: {  	_ =	swait.ge @!p0 [sflag:s16], $0x6400  }
0x98: {  	[sflag:s16] =	ssyncset.done @!p0 $0x0  }
0x99: {  	[sflag:s16] =	ssyncadd.s32 @!p0 $0xFFFF9C00  }
0x9a: {  	s18 =	rddreg [dreg:$0x0]  }
0x9b: {  	s19 =	simm.s32 $0x1C0;
	s3 =	sadd.s32 s18, s2  }
0x9c: {  	[tilespmem:s19], [sflag:$0x5] =	stream.linear.gather [hbm4b:s3+s22], $0x1C0, $0x38;
	[tilespmem:$0xCB80] =	vst v63  }
0x9d: {  	_ =	swait.ge [sflag:s8], $0x1C0  }
0x9e: {  	[sflag:s8] =	ssyncset.done $0x0  }
0x9f: {  	s22 =	simm.s32 $0x6780;
	[sflag:s8] =	ssyncadd.s32 $0xFFFFFE40  }
0xa0: {  	[tilespmem:s22], [sflag:$0x2] =	stream.indirect.gather [hbm4b:s5+s13], $0x40, s19, s13, $0xb8;
	[tilespmem:$0xCB80] =	vst v63  }
0xa1: {  	s2 =	simm.s32 $0x7400;
	s20 =	rddreg [dreg:$0xa]  }
0xa2: {  	[tilespmem:s2], [sflag:$0x2] =	stream.indirect.gather [hbm4b:s5+s13], $0x40, s20, s13, $0xb8;
	[tilespmem:$0xCB80] =	vst v63  }
0xa3: {  	s14 =	smul.u32 $0x38, s14;
	s24 =	rddreg [dreg:$0xb];
	s8 =	simm.s32 $0x8080  }
0xa4: {  	[tilespmem:s8], [sflag:$0x2] =	stream.indirect.gather [hbm4b:s5+s13], $0x40, s24, s13, $0xb8;
	[tilespmem:$0xCB80] =	vst v63  }
0xa5: {  	s28 =	smov.u32 s6;
	s15 =	simm.s32 $0x8D00;
	s6 =	rddreg [dreg:$0xc]  }
0xa6: {  	[tilespmem:s15], [sflag:$0x2] =	stream.indirect.gather [hbm4b:s5+s13], $0x40, s6, s13, $0xb8;
	[tilespmem:$0xCB80] =	vst v63  }
0xa7: {  	s21 =	smov.u32 s14;
	s17 =	simm.s32 $0x9980;
	s14 =	rddreg [dreg:$0xd]  }
0xa8: {  	[tilespmem:s17], [sflag:$0x2] =	stream.indirect.gather [hbm4b:s5+s13], $0x40, s14, s13, $0xb8;
	[tilespmem:$0xCB80] =	vst v63  }
0xa9: {  	s16 =	rddreg [dreg:$0xe];
	s19 =	simm.s32 $0xA600  }
0xaa: {  	[tilespmem:s19], [sflag:$0x2] =	stream.indirect.gather [hbm4b:s5+s13], $0x40, s16, s13, $0xb8;
	[tilespmem:$0xCB80] =	vst v63  }
0xab: {  	s18 =	rddreg [dreg:$0xf];
	s22 =	simm.s32 $0xB280  }
0xac: {  	[tilespmem:s22], [sflag:$0x2] =	stream.indirect.gather [hbm4b:s5+s13], $0x40, s18, s13, $0xb8;
	[tilespmem:$0xCB80] =	vst v63  }
0xad: {  	s20 =	rddreg [dreg:$0x10];
	s2 =	simm.s32 $0x1;
	s24 =	simm.s32 $0xBF00  }
0xae: {  	[tilespmem:s24], [sflag:$0x2] =	stream.indirect.gather [hbm4b:s5+s13], $0x40, s20, s13, $0xb8;
	[tilespmem:$0xCB80] =	vst v63  }
0xaf: {  	_ =	swait.ge [sflag:s2], $0x6400  }
0xb0: {  	[sflag:s2] =	ssyncset.done $0x0  }
0xb1: {  	s31 =	sadd.s32 $0x2, s31;
	s3 =	simm.s32 $0x380;
	[sflag:s2] =	ssyncadd.s32 $0xFFFF9C00  }
0xb2: {  	[hbm4b:s11+s9] =	stream.strided.scatter [tilespmem:s3], [sflag:$0x3], $0xC80, s7, s9, $0x38;
	[tilespmem:$0xCB80] =	vst v63  }
0xb3: {  	s29 =	smov.u32 s4;
	s4 =	sadd.s32 $0x380, s11;
	s6 =	simm.s32 $0x1000  }
0xb4: {  	[hbm4b:s4+s9] =	stream.strided.scatter [tilespmem:s6], [sflag:$0x3], $0xC80, s7, s9, $0x38;
	[tilespmem:$0xCB80] =	vst v63  }
0xb5: {  	p1 =	sne.s32 s31, $0x41;
	s8 =	sadd.s32 $0x700, s11;
	s14 =	simm.s32 $0x1C80  }
0xb6: {  	[hbm4b:s8+s9] =	stream.strided.scatter [tilespmem:s14], [sflag:$0x3], $0xC80, s7, s9, $0x38;
	[tilespmem:$0xCB80] =	vst v63  }
0xb7: {  	s0 =	sadd.s32 $0x70, s0;
	s15 =	sadd.s32 $0xA80, s11;
	s16 =	simm.s32 $0x2900  }
0xb8: {  	[hbm4b:s15+s9] =	stream.strided.scatter [tilespmem:s16], [sflag:$0x3], $0xC80, s7, s9, $0x38;
	[tilespmem:$0xCB80] =	vst v63  }
0xb9: {  	s23 =	smov.u32 s12;
	s17 =	sadd.s32 $0xE00, s11;
	s18 =	simm.s32 $0x3580  }
0xba: {  	[hbm4b:s17+s9] =	stream.strided.scatter [tilespmem:s18], [sflag:$0x3], $0xC80, s7, s9, $0x38;
	[tilespmem:$0xCB80] =	vst v63  }
.Ltmp0:
0xbb: {  	s12 =	smov.u32 s1;
	p0 =	por p2, p2;
	(pc) =	sbr.rel @p1 .LBB2_2-.Ltmp0, $4  }
0xbc: {  	s19 =	sadd.s32 $0x1180, s11;
	s22 =	sadd.s32 $0x1500, s11;
	s20 =	simm.s32 $0x4200  }
0xbd: {  	[hbm4b:s19+s9] =	stream.strided.scatter [tilespmem:s20], [sflag:$0x3], $0xC80, s7, s9, $0x38;
	[tilespmem:$0xCB80] =	vst v63  }
0xbe: {  	s24 =	simm.s32 $0x4E80;
	s4 =	sadd.s32 $0x1880, s11;
	s11 =	sadd.s32 $0x3800, s11  }
0xbf: {  	[hbm4b:s22+s9] =	stream.strided.scatter [tilespmem:s24], [sflag:$0x3], $0xC80, s7, s9, $0x38;
	[tilespmem:$0xCB80] =	vst v63  }
0xc0: {  	s20 =	simm.s32 $0x5B00  }
0xc1: {  	s30 =	simm.s32 $0x40;
	s31 =	simm.s32 $0x80;
	s3 =	simm.s32 @!p0 $0x3  }
0xc2: {  	[hbm4b:s4+s30] =	stream.strided.scatter [tilespmem:s20], [sflag:$0x3], $0xC80, s31, s30, $0x38;
	[tilespmem:$0xCB80] =	vst v63  }
0xc3: {  	_ =	swait.ge @!p0 [sflag:s3], $0x6400  }
0xc4: {  	[sflag:s3] =	ssyncset.done @!p0 $0x0  }
0xc5: {  	s6 =	simm.s32 $0x0;
	s1 =	simm.s32 $0x5;
	[sflag:s3] =	ssyncadd.s32 @!p0 $0xFFFF9C00  }
0xc6: {  	[tilespmem:s6], [sflag:$0x5] =	stream.linear.gather [hbm4b:s0+s6], $0x1C0, $0x38;
	[tilespmem:$0xCB80] =	vst v63  }
0xc7: {  	_ =	swait.ge [sflag:s1], $0x1C0  }
0xc8: {  	[sflag:s1] =	ssyncset.done $0x0  }
0xc9: {  	s8 =	simm.s32 $0x380;
	[sflag:s1] =	ssyncadd.s32 $0xFFFFFE40  }
0xca: {  	[tilespmem:s8], [sflag:$0x1] =	stream.indirect.gather [hbm4b:s5+s13], $0x40, s6, s13, $0xb8;
	[tilespmem:$0xCB80] =	vst v63  }
0xcb: {  	s14 =	simm.s32 $0x1000;
	s22 =	rddreg [dreg:$0x3]  }
0xcc: {  	[tilespmem:s14], [sflag:$0x1] =	stream.indirect.gather [hbm4b:s5+s13], $0x40, s22, s13, $0xb8;
	[tilespmem:$0xCB80] =	vst v63  }
0xcd: {  	s15 =	simm.s32 $0x1C80;
	s24 =	rddreg [dreg:$0x4]  }
0xce: {  	[tilespmem:s15], [sflag:$0x1] =	stream.indirect.gather [hbm4b:s5+s13], $0x40, s24, s13, $0xb8;
	[tilespmem:$0xCB80] =	vst v63  }
0xcf: {  	s16 =	simm.s32 $0x2900;
	s2 =	rddreg [dreg:$0x5]  }
0xd0: {  	[tilespmem:s16], [sflag:$0x1] =	stream.indirect.gather [hbm4b:s5+s13], $0x40, s2, s13, $0xb8;
	[tilespmem:$0xCB80] =	vst v63  }
0xd1: {  	s17 =	simm.s32 $0x3580;
	s4 =	rddreg [dreg:$0x6]  }
0xd2: {  	[tilespmem:s17], [sflag:$0x1] =	stream.indirect.gather [hbm4b:s5+s13], $0x40, s4, s13, $0xb8;
	[tilespmem:$0xCB80] =	vst v63  }
0xd3: {  	s18 =	simm.s32 $0x4200;
	s7 =	rddreg [dreg:$0x7]  }
0xd4: {  	[tilespmem:s18], [sflag:$0x1] =	stream.indirect.gather [hbm4b:s5+s13], $0x40, s7, s13, $0xb8;
	[tilespmem:$0xCB80] =	vst v63  }
0xd5: {  	s19 =	simm.s32 $0x4E80;
	s9 =	rddreg [dreg:$0x8]  }
0xd6: {  	[tilespmem:s19], [sflag:$0x1] =	stream.indirect.gather [hbm4b:s5+s13], $0x40, s9, s13, $0xb8;
	[tilespmem:$0xCB80] =	vst v63  }
0xd7: {  	s3 =	simm.s32 @!p0 $0x2;
	s22 =	rddreg [dreg:$0x9]  }
0xd8: {  	[tilespmem:s20], [sflag:$0x1] =	stream.indirect.gather [hbm4b:s5+s13], $0x40, s22, s13, $0xb8;
	[tilespmem:$0xCB80] =	vst v63  }
0xd9: {  	_ =	swait.ge @!p0 [sflag:s3], $0x6400  }
0xda: {  	s0 =	simm.s32 @!p0 $0x6780;
	[sflag:s3] =	ssyncset.done @!p0 $0x0  }
0xdb: {  	s4 =	simm.s32 @!p0 $0x80;
	[sflag:s3] =	ssyncadd.s32 @!p0 $0xFFFF9C00;
	s3 =	simm.s32 @!p0 $0x40  }
0xdc: {  	[hbm4b:s10+s3] =	stream.strided.scatter @!p0 [tilespmem:s0], [sflag:$0x4], $0xC80, s4, s3, $0x38;
	[tilespmem:$0xCB80] =	vst v63  }
0xdd: {  	s2 =	rddreg [dreg:$0x11];
	s0 =	simm.s32 @!p0 $0x7400  }
0xde: {  	[hbm4b:s2+s3] =	stream.strided.scatter @!p0 [tilespmem:s0], [sflag:$0x4], $0xC80, s4, s3, $0x38;
	[tilespmem:$0xCB80] =	vst v63  }
0xdf: {  	s0 =	simm.s32 @!p0 $0x8080;
	s2 =	rddreg [dreg:$0x13]  }
0xe0: {  	[hbm4b:s2+s3] =	stream.strided.scatter @!p0 [tilespmem:s0], [sflag:$0x4], $0xC80, s4, s3, $0x38;
	[tilespmem:$0xCB80] =	vst v63  }
0xe1: {  	s0 =	simm.s32 @!p0 $0x8D00;
	s2 =	rddreg [dreg:$0x12]  }
0xe2: {  	[hbm4b:s2+s3] =	stream.strided.scatter @!p0 [tilespmem:s0], [sflag:$0x4], $0xC80, s4, s3, $0x38;
	[tilespmem:$0xCB80] =	vst v63  }
0xe3: {  	s0 =	simm.s32 @!p0 $0x9980  }
0xe4: {  	[hbm4b:s26+s3] =	stream.strided.scatter @!p0 [tilespmem:s0], [sflag:$0x4], $0xC80, s4, s3, $0x38;
	[tilespmem:$0xCB80] =	vst v63  }
0xe5: {  	s0 =	simm.s32 @!p0 $0xA600  }
0xe6: {  	[hbm4b:s25+s3] =	stream.strided.scatter @!p0 [tilespmem:s0], [sflag:$0x4], $0xC80, s4, s3, $0x38;
	[tilespmem:$0xCB80] =	vst v63  }
0xe7: {  	s0 =	simm.s32 @!p0 $0xB280  }
0xe8: {  	[hbm4b:s28+s3] =	stream.strided.scatter @!p0 [tilespmem:s0], [sflag:$0x4], $0xC80, s4, s3, $0x38;
	[tilespmem:$0xCB80] =	vst v63  }
0xe9: {  	s0 =	simm.s32 @!p0 $0xBF00  }
0xea: {  	[hbm4b:s29+s3] =	stream.strided.scatter @!p0 [tilespmem:s0], [sflag:$0x4], $0xC80, s4, s3, $0x38;
	[tilespmem:$0xCB80] =	vst v63  }
0xeb: {  	s0 =	simm.s32 @!p0 $0x4  }
0xec: {  	_ =	swait.ge @!p0 [sflag:s0], $0x6400  }
0xed: {  	[sflag:s0] =	ssyncset.done @!p0 $0x0  }
0xee: {  	[sflag:s0] =	ssyncadd.s32 @!p0 $0xFFFF9C00  }
0xef: {  	s0 =	rddreg [dreg:$0x0]  }
0xf0: {  	s24 =	simm.s32 $0x1C0;
	s0 =	sadd.s32 s0, s21  }
0xf1: {  	[tilespmem:s24], [sflag:$0x5] =	stream.linear.gather [hbm4b:s0+s6], $0x1C0, $0x38;
	[tilespmem:$0xCB80] =	vst v63  }
0xf2: {  	_ =	swait.ge [sflag:s1], $0x1C0  }
0xf3: {  	[sflag:s1] =	ssyncset.done $0x0  }
0xf4: {  	s3 =	simm.s32 $0x6780;
	[sflag:s1] =	ssyncadd.s32 $0xFFFFFE40  }
0xf5: {  	[tilespmem:s3], [sflag:$0x2] =	stream.indirect.gather [hbm4b:s5+s13], $0x40, s24, s13, $0xb8;
	[tilespmem:$0xCB80] =	vst v63  }
0xf6: {  	s6 =	simm.s32 $0x7400;
	s25 =	rddreg [dreg:$0xa]  }
0xf7: {  	[tilespmem:s6], [sflag:$0x2] =	stream.indirect.gather [hbm4b:s5+s13], $0x40, s25, s13, $0xb8;
	[tilespmem:$0xCB80] =	vst v63  }
0xf8: {  	s7 =	simm.s32 $0x8080;
	s26 =	rddreg [dreg:$0xb]  }
0xf9: {  	[tilespmem:s7], [sflag:$0x2] =	stream.indirect.gather [hbm4b:s5+s13], $0x40, s26, s13, $0xb8;
	[tilespmem:$0xCB80] =	vst v63  }
0xfa: {  	s9 =	simm.s32 $0x8D00;
	s28 =	rddreg [dreg:$0xc]  }
0xfb: {  	[tilespmem:s9], [sflag:$0x2] =	stream.indirect.gather [hbm4b:s5+s13], $0x40, s28, s13, $0xb8;
	[tilespmem:$0xCB80] =	vst v63  }
0xfc: {  	s10 =	simm.s32 $0x9980;
	s29 =	rddreg [dreg:$0xd]  }
0xfd: {  	[tilespmem:s10], [sflag:$0x2] =	stream.indirect.gather [hbm4b:s5+s13], $0x40, s29, s13, $0xb8;
	[tilespmem:$0xCB80] =	vst v63  }
0xfe: {  	s21 =	simm.s32 $0xA600;
	s1 =	rddreg [dreg:$0xe]  }
0xff: {  	[tilespmem:s21], [sflag:$0x2] =	stream.indirect.gather [hbm4b:s5+s13], $0x40, s1, s13, $0xb8;
	[tilespmem:$0xCB80] =	vst v63  }
0x100: {  	s22 =	simm.s32 $0xB280;
	s4 =	rddreg [dreg:$0xf]  }
0x101: {  	[tilespmem:s22], [sflag:$0x2] =	stream.indirect.gather [hbm4b:s5+s13], $0x40, s4, s13, $0xb8;
	[tilespmem:$0xCB80] =	vst v63  }
0x102: {  	s2 =	simm.s32 $0xBF00;
	s24 =	rddreg [dreg:$0x10];
	s25 =	simm.s32 $0x1  }
0x103: {  	[tilespmem:s2], [sflag:$0x2] =	stream.indirect.gather [hbm4b:s5+s13], $0x40, s24, s13, $0xb8;
	[tilespmem:$0xCB80] =	vst v63  }
0x104: {  	_ =	swait.ge [sflag:s25], $0x6400  }
0x105: {  	[sflag:s25] =	ssyncset.done $0x0  }
0x106: {  	[sflag:s25] =	ssyncadd.s32 $0xFFFF9C00  }
0x107: {  	[hbm4b:s11+s30] =	stream.strided.scatter [tilespmem:s8], [sflag:$0x3], $0xC80, s31, s30, $0x38;
	[tilespmem:$0xCB80] =	vst v63  }
0x108: {  	s26 =	sadd.s32 $0x380, s11  }
0x109: {  	[hbm4b:s26+s30] =	stream.strided.scatter [tilespmem:s14], [sflag:$0x3], $0xC80, s31, s30, $0x38;
	[tilespmem:$0xCB80] =	vst v63  }
0x10a: {  	s28 =	sadd.s32 $0x700, s11  }
0x10b: {  	[hbm4b:s28+s30] =	stream.strided.scatter [tilespmem:s15], [sflag:$0x3], $0xC80, s31, s30, $0x38;
	[tilespmem:$0xCB80] =	vst v63  }
0x10c: {  	s29 =	sadd.s32 $0xA80, s11  }
0x10d: {  	[hbm4b:s29+s30] =	stream.strided.scatter [tilespmem:s16], [sflag:$0x3], $0xC80, s31, s30, $0x38;
	[tilespmem:$0xCB80] =	vst v63  }
0x10e: {  	s1 =	sadd.s32 $0xE00, s11  }
0x10f: {  	[hbm4b:s1+s30] =	stream.strided.scatter [tilespmem:s17], [sflag:$0x3], $0xC80, s31, s30, $0x38;
	[tilespmem:$0xCB80] =	vst v63  }
0x110: {  	s4 =	sadd.s32 $0x1180, s11  }
0x111: {  	[hbm4b:s4+s30] =	stream.strided.scatter [tilespmem:s18], [sflag:$0x3], $0xC80, s31, s30, $0x38;
	[tilespmem:$0xCB80] =	vst v63  }
0x112: {  	s8 =	sadd.s32 $0x1500, s11  }
0x113: {  	[hbm4b:s8+s30] =	stream.strided.scatter [tilespmem:s19], [sflag:$0x3], $0xC80, s31, s30, $0x38;
	[tilespmem:$0xCB80] =	vst v63  }
0x114: {  	s14 =	sadd.s32 $0x1880, s11;
	s15 =	simm.s32 $0x2  }
0x115: {  	[hbm4b:s14+s30] =	stream.strided.scatter [tilespmem:s20], [sflag:$0x3], $0xC80, s31, s30, $0x38;
	[tilespmem:$0xCB80] =	vst v63  }
0x116: {  	_ =	swait.ge [sflag:s15], $0x6400  }
0x117: {  	[sflag:s15] =	ssyncset.done $0x0  }
0x118: {  	s16 =	rddreg [dreg:$0x14];
	[sflag:s15] =	ssyncadd.s32 $0xFFFF9C00  }
0x119: {  	[hbm4b:s16+s30] =	stream.strided.scatter [tilespmem:s3], [sflag:$0x4], $0xC80, s31, s30, $0x38;
	[tilespmem:$0xCB80] =	vst v63  }
0x11a: {  	s17 =	sadd.s32 $0x380, s16  }
0x11b: {  	[hbm4b:s17+s30] =	stream.strided.scatter [tilespmem:s6], [sflag:$0x4], $0xC80, s31, s30, $0x38;
	[tilespmem:$0xCB80] =	vst v63  }
0x11c: {  	s18 =	sadd.s32 $0x700, s16  }
0x11d: {  	[hbm4b:s18+s30] =	stream.strided.scatter [tilespmem:s7], [sflag:$0x4], $0xC80, s31, s30, $0x38;
	[tilespmem:$0xCB80] =	vst v63  }
0x11e: {  	s19 =	sadd.s32 $0xA80, s16  }
0x11f: {  	[hbm4b:s19+s30] =	stream.strided.scatter [tilespmem:s9], [sflag:$0x4], $0xC80, s31, s30, $0x38;
	[tilespmem:$0xCB80] =	vst v63  }
0x120: {  	s20 =	sadd.s32 $0xE00, s16  }
0x121: {  	[hbm4b:s20+s30] =	stream.strided.scatter [tilespmem:s10], [sflag:$0x4], $0xC80, s31, s30, $0x38;
	[tilespmem:$0xCB80] =	vst v63  }
0x122: {  	s24 =	sadd.s32 $0x1180, s16  }
0x123: {  	[hbm4b:s24+s30] =	stream.strided.scatter [tilespmem:s21], [sflag:$0x4], $0xC80, s31, s30, $0x38;
	[tilespmem:$0xCB80] =	vst v63  }
0x124: {  	s25 =	sadd.s32 $0x1500, s16  }
0x125: {  	[hbm4b:s25+s30] =	stream.strided.scatter [tilespmem:s22], [sflag:$0x4], $0xC80, s31, s30, $0x38;
	[tilespmem:$0xCB80] =	vst v63  }
0x126: {  	s28 =	simm.s32 $0x3;
	s26 =	sadd.s32 $0x1880, s16  }
0x127: {  	[hbm4b:s26+s30] =	stream.strided.scatter [tilespmem:s2], [sflag:$0x4], $0xC80, s31, s30, $0x38;
	[tilespmem:$0xCB80] =	vst v63  }
0x128: {  	_ =	swait.ge [sflag:s28], $0x6400  }
0x129: {  	[sflag:s28] =	ssyncset.done $0x0  }
0x12a: {  	s29 =	simm.s32 $0x4;
	[sflag:s28] =	ssyncadd.s32 $0xFFFF9C00  }
0x12b: {  	_ =	swait.ge [sflag:s29], $0x6400  }
0x12c: {  	s30 =	rddreg [dreg:$0x19]  }
0x12d: {  	s31 =	rddreg [dreg:$0x15];
	s2 =	sadd.s32 $0x1, s30  }
0x12e: {  	p0 =	sne.s32 s2, s31  }
.Ltmp1:
0x12f: {  	_ = 	snop;
	(pc) =	sbr.rel @p0 .LBB2_1-.Ltmp1, $3  }
0x130: {  	_ =	sdelay $0x1  }
0x131: {  	[sflag:s29] =	ssyncset.done $0x0  }
0x132: {  	s4 =	simm.s32 $0x5B00;
	[sflag:s29] =	ssyncadd.s32 $0xFFFF9C00  }
0x133: {  	_ =	sfence.sel $0x180000  }
0x134: {  	[bflag:$0x0] =	sbarrier.arrive $0xFFFF  }
0x135: {  	_ =	strace $0x9000004A  }
0x136: {  	s0 =	stileid.u32;
	[bflag:$0x2] =	sbarrier.arrive $0xFFFF  }
0x137: {  	p0 =	sne.s32 s0, $0x0;
	s0 =	rddreg [dreg:$0x2]  }
0x138: {  	s0 =	sadd.s32 @!p0 $0x100000, s0  }
0x139: {  	[sflag:s0] =	ssyncadd.tile.s32 @!p0 $0x1;
	_ =	shalt  }
.Lfunc_end2:
_tile_overlayer_lowered:
.L_overlay_start_2:
0x13a: {  	(tag) =	ssettag $0x2  }
0x13b: {  	s0 =	rddreg [dreg:$0x0];
	s2 =	stileid.u32  }
0x13c: {  	s1 =	rddreg [dreg:$0x1];
	p0 =	sne.s32 s2, $0x0  }
0x13d: {  	s3 =	rddreg [dreg:$0x2];
	[bflag:$0x3] =	sbarrier.arrive $0xFFFF;
	s2 =	simm.s32 @!p0 $0x1C05  }
0x13e: {  	[timem:s3], [sflag:s2] =	dma.local @!p0 [hbm:s0], s1  }
0x13f: {  	s0 =	simm.s32 @!p0 $0x5  }
0x140: {  	_ =	swait.ge @!p0 [sflag:s0], s1  }
0x141: {  	s1 =	ssub.s32 @!p0 $0x0, s1;
	[sflag:s0] =	ssyncset.done @!p0 $0x0  }
0x142: {  	[sflag:s0] =	ssyncadd.s32 @!p0 s1  }
0x143: {  	[bflag:$0x3] =	sbarrier.arrive $0xFFFF  }
0x144: {  	_ =	shalt  }

// kernel: sparse-core-data-format-call.1.cloned.1.call-start
scs
called_computation.1_lowered:
.L_overlay_start_0:
0x0: {  	s2 =	sld [smem:$0x3FD9]  }
0x1: {  	s3 =	sld [smem:$0x3FFE];
	_ =	sdelay $0x1  }
0x2: {  	s1 =	srdreg.scid  }
0x3: {  	s0 =	sand.u32 $0x1, s1  }
0x4: {  	s18 =	sshll.u32 s0, $0xA;
	s2 =	sadd.s32 s3, s2  }
0x5: {  	s2 =	sadd.s32 s2, s18  }
0x6: {  	[smem:$0x3FC6] =	sst s2  }
0x7: {  	_ = 	snop  }
0x8: {  	s2 =	sld [smem:$0x3FC8];
	(tm) =	ssettm $0x1  }
0x9: {  	s19 =	sld [smem:$0x3FFB];
	_ =	sdelay $0x3  }
0xa: {  	_ =	strace s19  }
0xb: {  	s3 =	sld [smem:$0x3FFC];
	_ =	sdelay $0x3  }
0xc: {  	_ =	strace s3  }
0xd: {  	s3 =	sld [smem:$0x3FFD];
	_ =	sdelay $0x3  }
0xe: {  	_ =	strace s3  }
0xf: {  	_ =	strace $0x8FFFFFFF  }
0x10: {  	s20 =	sld [smem:$0x3FDB];
	_ =	sdelay $0x1  }
0x11: {  	s4 =	simm.s32 $_scs_section_size  }
0x12: {  	s5 =	simm.s32 $_size__tile_overlayer_lowered;
	s6 =	simm.s32 $_tile_overlayer_lowered  }
0x13: {  	s23 =	simm.s32 $0x1BFF;
	s22 =	sshll.u32 s6, $0x1;
	s3 =	sadd.s32 s4, s20  }
0x14: {  	s7 =	simm.s32 $0x0;
	s21 =	sshll.u32 s5, $0x1;
	s5 =	sadd.s32 s22, s3  }
0x15: {  	[timem:s7], [sflag:s23] =	dma.local [hbm:s5], s21  }
0x16: {  	_ =	swait.ge [sflag:s23], s21  }
0x17: {  	s4 =	ssub.s32 $0x0, s21;
	[sflag:s23] =	ssyncset.done $0x0  }
0x18: {  	[sflag:s23] =	ssyncadd.s32 s4;
	_ =	sdelay $0x1  }
0x19: {  	s24 =	simm.s32 $0x1B8B  }
0x1a: {  	_ =	swait.ge [sflag:s24], $0x1  }
0x1b: {  	[sflag:s24] =	ssyncset.done $0x0  }
0x1c: {  	s26 =	simm.s32 $0x1B8E;
	s25 =	sld [smem:$0x3FFE];
	[sflag:s24] =	ssyncadd.s32 $0xFFFFFFFF  }
0x1d: {  	s27 =	simm.s32 $execute0_lowered;
	[smem:$0x3FD2] =	sst s26  }
0x1e: {  	s5 =	sshll.u32 s27, $0x1;
	_ =	strace $0x80000046;
	[dreg:$0x1] =	wrdreg $0xFFFFFFFF  }
0x1f: {  	s28 =	simm.s32 $_size_execute0_lowered;
	s3 =	sadd.s32 s3, s5;
	[dreg:$0x0] =	wrdreg $0x0  }
0x20: {  	s5 =	sshll.u32 s28, $0x1;
	[dreg:$0x2] =	wrdreg s3  }
0x21: {  	[dreg:$0x3] =	wrdreg s5  }
0x22: {  	[dreg:$0x4] =	wrdreg $0xC0  }
0x23: {  	_ =	task [dreg:s7], $0x5FFFF  }
0x24: {  	[dreg:$0x1] =	wrdreg $0xFFFFFFFF  }
0x25: {  	[dreg:$0x0] =	wrdreg $0x60  }
0x26: {  	[dreg:$0x2] =	wrdreg s2  }
0x27: {  	[dreg:$0x3] =	wrdreg s25  }
0x28: {  	[dreg:$0x4] =	wrdreg $0x9  }
0x29: {  	_ =	task.clear_ibuf [dreg:s7], $0x5FFFF;
	_ =	strace $0x90000046  }
0x2a: {  	s29 =	simm.s32 $0x9;
	_ =	strace $0x80000048  }
0x2b: {  	_ =	swait.ge [sflag:s29], $0x1  }
0x2c: {  	[sflag:s29] =	ssyncadd.s32 $0xFFFFFFFF  }
0x2d: {  	_ =	strace $0x90000048  }
0x2e: {  	_ =	sfence  }
0x2f: {  	s30 =	sld [smem:$0x0];
	_ =	sdelay $0x2  }
0x30: {  	s31 =	sshll.u32 s1, $0xD;
	s1 =	sshrl.u32 s1, $0x2  }
0x31: {  	s3 =	sand.u32 $0x4000, s31;
	s1 =	sadd.s32 s1, s30  }
0x32: {  	s0 =	sor.u32 s3, s0;
	s1 =	sshll.u32 s1, $0x11  }
0x33: {  	s0 =	sor.u32 s1, s0  }
0x34: {  	s0 =	sadd.s32 $0x8F2B, s0  }
0x35: {  	[sflag:s0] =	ssyncadd.remote.s32 $0x1  }
0x36: {  	_ =	sfence.sel $0xFFFF  }
0x37: {  	[dreg:$0x0] =	wrdreg $0xFFFFFFFF;
	(pc) =	sbr.abs _section_cstart, $3  }
0x38: {  	[dreg:$0x1] =	wrdreg $0xFFFFFFFF  }
0x39: {  	_ =	task.clear_ibuf [dreg:s7], $0x2FFFF;
	_ =	strace $0x9FFFFFFF  }
0x3a: {  	(tm) =	ssettm $0x7FFFFFFF  }
0x3b: {  	_ =	shalt  }
tec
execute0_lowered:
.L_overlay_start_1:
0x0: {  	(tag) =	ssettag $0x1  }
0x1: {  	s0 =	srdreg.scid;
	s2 =	rddreg [dreg:$0x0]  }
0x2: {  	s5 =	rddreg [dreg:$0x1];
	s1 =	stileid.u32  }
0x3: {  	s4 =	simm.s32 $0x1;
	s6 =	simm.s32 $0x2;
	s15 =	simm.s32 $0x0  }
0x4: {  	p0 =	por $0x0, $0x0;
	s8 =	simm.s32 $0x80;
	s0 =	sshll.u32 s0, $0x4  }
0x5: {  	s14 =	simm.s32 $0x0;
	s9 =	simm.s32 $0x0;
	s3 =	sand.u32 $0x10, s0  }
.Ltmp0:
0x6: {  	s10 =	simm.s32 $0x0;
	s3 =	sor.u32 s1, s3;
	(pc) =	sbr.rel .LBB1_1-.Ltmp0, $4  }
0x7: {  	s0 =	rddreg [dreg:$0x2];
	_ =	strace $0x80000047;
	s3 =	sshll.u32 s3, $0x7  }
0x8: {  	s12 =	simm.s32 $0x0;
	[sflag:s4] =	ssyncpa.u1 $0x0;
	s7 =	ssub.s32 $0xF4200, s3  }
0x9: {  	s13 =	simm.s32 $0x0;
	[sflag:s6] =	ssyncpa.u1 $0x0;
	s6 =	sshrl.u32 s7, $0xC  }
0xa: {  	s5 =	sadd.s32 $0xE00, s5;
	s11 =	smov.u32 s3;
	s7 =	sadd.s32 $0x2, s6  }
.LBB1_5:
0xb: {  	p1 =	slt.u32 s13, $0x2  }
0xc: {  	s17 =	smov.u32 s15;
	p2 =	sgt.s32 @!p1 s15, $0xF41C0;
	s16 =	sshra.s32 @!p1 s15, $0x1F  }
0xd: {  	p3 =	sgt.s32 @!p1 s14, $0x40;
	s18 =	sshra.s32 @!p1 s14, $0x1F;
	p2 =	por !p2, p1  }
0xe: {  	s15 =	sand.u32 @!p1 s16, s15;
	p3 =	por !p3, p1;
	s16 =	smov.u32 s14  }
0xf: {  	s14 =	sand.u32 @!p1 s18, s14;
	s17 =	simm.s32 @p2 $0xF41C0;
	s16 =	simm.s32 @p3 $0x40  }
0x10: {  	s15 =	ssub.s32 @!p1 s17, s15;
	s14 =	ssub.s32 @!p1 s16, s14  }
0x11: {  	s18 =	smov.u32 s12;
	s16 =	sadd.s32 @!p1 $0xFFF0BE40, s15;
	s17 =	sadd.s32 @!p1 $0xFFFFFFC0, s14  }
0x12: {  	s15 =	ssub.s32 @!p1 $0xF4240, s15;
	p2 =	sgt.s32 @!p1 s16, $0x7F;
	p3 =	sgt.s32 @!p1 s17, $0x3F  }
0x13: {  	s14 =	ssub.s32 @!p1 $0x80, s14;
	p2 =	por !p2, p1;
	p3 =	por !p3, p1  }
0x14: {  	s16 =	sadd.s32 $0x1000, s11;
	s15 =	simm.s32 @!p2 $0x0;
	s14 =	simm.s32 @!p3 $0x0  }
0x15: {  	p2 =	sgt.s32 s16, $0xF423F;
	s14 =	smul.u32 @!p1 s14, s15;
	s15 =	sadd.s32 $0x40, s12  }
0x16: {  	s18 =	smov.u32 @p2 s15  }
0x17: {  	s16 =	smov.u32 @p2 s3;
	p2 =	sgt.s32 s18, $0x3F  }
0x18: {  	s18 =	simm.s32 @p2 $0x0;
	p2 =	sne.s32 s13, s7  }
.Ltmp1:
0x19: {  	p0 =	por !p0, !p0;
	s17 =	simm.s32 @!p1 $0x2;
	(pc) =	sbr.rel @!p2 .LBB1_6-.Ltmp1, $4  }
0x1a: {  	s15 =	smov.u32 s9;
	s9 =	smov.u32 s11;
	s14 =	sand.u32 @!p1 $0x3FFFFFFF, s14  }
0x1b: {  	s11 =	smov.u32 s16;
	_ =	swait.ge @!p1 [sflag:s17], s14;
	s19 =	ssub.s32 @!p1 $0x0, s14  }
0x1c: {  	s14 =	smov.u32 s10;
	s13 =	sadd.s32 $0x1, s13;
	[sflag:s17] =	ssyncset.done @!p1 $0x0  }
0x1d: {  	s10 =	smov.u32 s12;
	s12 =	smov.u32 s18;
	[sflag:s17] =	ssyncadd.s32 @!p1 s19  }
.LBB1_1:
0x1e: {  	p1 =	sgt.u32 s13, s6  }
0x1f: {  	s16 =	sshrl.u32 @!p1 s12, $0x3  }
0x20: {  	s17 =	sshll.u32 @!p1 s11, $0x3;
	s16 =	smul.u32 @!p1 $0x7A1400, s16  }
0x21: {  	s18 =	sshll.u32 @!p1 s12, $0x7;
	s17 =	sand.u32 @!p1 $0xFFFFFC00, s17  }
0x22: {  	s16 =	sadd.s32 @!p1 s16, s17;
	s17 =	sand.u32 @!p1 $0x380, s18  }
0x23: {  	s18 =	sand.u32 @!p1 $0x7F, s11;
	s16 =	sor.u32 @!p1 s17, s16  }
0x24: {  	s17 =	sor.u32 @!p1 s18, s16  }
0x25: {  	s18 =	smulhi.u32 @!p1 $0x218D6287, s17;
	_ =	sdelay $0x1  }
0x26: {  	s16 =	smulhi.u32 @!p1 $0x218D6287, s16;
	s18 =	sshrl.u32 @!p1 s18, $0x11  }
0x27: {  	s18 =	smul.u32 @!p1 $0xF4280, s18  }
0x28: {  	s19 =	sxor.u32 @!p1 $0xFFFFFFFF, s13;
	s16 =	sshrl.u32 @!p1 s16, $0x11  }
0x29: {  	s19 =	sshll.u32 @!p1 s19, $0xD;
	s16 =	sand.u32 @!p1 $0x3F, s16;
	s17 =	ssub.s32 @!p1 s17, s18  }
0x2a: {  	s16 =	smul.u32 @!p1 $0x1E850, s16;
	s18 =	sshrl.u32 @!p1 s17, $0x3;
	s17 =	sand.u32 @!p1 $0x7, s17  }
0x2b: {  	s19 =	sand.u32 @!p1 $0x2000, s19;
	s18 =	sadd.s32 @!p1 s2, s18;
	s17 =	sshll.u32 @!p1 s17, $0x12  }
0x2c: {  	s16 =	sadd.s32 @!p1 s16, s18;
	s17 =	sor.u32 @!p1 $0x400, s17;
	s18 =	simm.s32 @!p1 $0x7A1400  }
0x2d: {  	[tilespmem:s19], [sflag:$0x1] =	stream.strided.gather @!p1 [hbm4b:s16+s17], $0x2000, s18, s17, $0x38;
	[tilespmem:$0x8100] =	vst v63  }
0x2e: {  	p1 =	seq.s32 s13, $0x0  }
0x2f: {  	p2 =	sge.u32 @!p1 s13, s7  }
0x30: {  	p1 =	por p1, p2  }
.Ltmp2:
0x31: {  	_ = 	snop;
	(pc) =	sbr.rel @p1 .LBB1_5-.Ltmp2, $1  }
0x32: {  	_ =	sdelay $0x3  }
0x33: {  	s16 =	simm.s32 $0x1  }
0x34: {  	_ =	swait.ge [sflag:s4], $0x2000;
	s16 =	simm.s32 @!p0 $0x0  }
0x35: {  	[sflag:s4] =	ssyncset.done $0x0;
	s17 =	sshll.u32 s16, $0xD  }
0x36: {  	[sflag:s4] =	ssyncadd.s32 $0xFFFFE000;
	s17 =	sor.u32 $0x40, s17  }
0x37: {  	s16 =	smul.u32 $0x8200, s16;
	v0 =	vld [tilespmem:s17+$0x30]  }
0x38: {  	v1 =	vld [tilespmem:s17+$0xFFFFFFD0]  }
0x39: {  	s16 =	sshrl.u32 s16, $0x2;
	v5 =	vld [tilespmem:s17+$0xFFFFFFE0]  }
0x3a: {  	v6 =	vld [tilespmem:s17+$0xFFFFFFF0];
	s19 =	sor.u32 $0x4000, s16  }
0x3b: {  	s31 =	sand.u32 $0x1, s13;
	v4 =	vld [tilespmem:s17+$0x0];
	s18 =	sadd.s32 $0x0, s19  }
0x3c: {  	v3 =	vld [tilespmem:s17+$0x10];
	s16 =	smul.u32 $0x8200, s31;
	[tilespmem:s18+$0x1C70 ss:$0x41] =	vst.msk $0xffff, v0  }
0x3d: {  	v2 =	vld [tilespmem:s17+$0x20];
	[tilespmem:s18+$0x410 ss:$0x41] =	vst.msk $0xffff, v1  }
0x3e: {  	s16 =	sshrl.u32 s16, $0x2;
	v1 =	vld [tilespmem:s17+$0xFFFFFFC0];
	[tilespmem:s18+$0x820 ss:$0x41] =	vst.msk $0xffff, v5;
	s17 =	sadd.s32 $0x80, s17  }
0x3f: {  	s20 =	simm.s32 $0x4;
	s21 =	simm.s32 $0x8;
	s16 =	sor.u32 $0x4000, s16;
	[tilespmem:s18+$0xC30 ss:$0x41] =	vst.msk $0xffff, v6;
	v0 =	vld [tilespmem:s17+$0x30]  }
.LBB1_3:
0x40: {  	p1 =	sne.s32 s21, $0xFC;
	v5 =	vld [tilespmem:s17+$0xFFFFFFD0];
	[tilespmem:s18+$0x1040 ss:$0x41] =	vst.msk $0xffff, v4  }
0x41: {  	v6 =	vld [tilespmem:s17+$0xFFFFFFE0];
	[tilespmem:s18+$0x1450 ss:$0x41] =	vst.msk $0xffff, v3  }
0x42: {  	s22 =	sshra.s32 s20, $0x2;
	s20 =	smov.u32 s21;
	v7 =	vld [tilespmem:s17+$0xFFFFFFF0];
	[tilespmem:s18+$0x1860 ss:$0x41] =	vst.msk $0xffff, v2  }
.Ltmp3:
0x43: {  	v4 =	vld [tilespmem:s17+$0x0];
	[tilespmem:s18+$0x0 ss:$0x41] =	vst.msk $0xffff, v1;
	s18 =	sadd.s32 s22, s19;
	(pc) =	sbr.rel @p1 .LBB1_3-.Ltmp3, $4  }
0x44: {  	v3 =	vld [tilespmem:s17+$0x10];
	[tilespmem:s18+$0x1C70 ss:$0x41] =	vst.msk $0xffff, v0  }
0x45: {  	[tilespmem:s18+$0x410 ss:$0x41] =	vst.msk $0xffff, v5;
	v2 =	vld [tilespmem:s17+$0x20]  }
0x46: {  	v1 =	vld [tilespmem:s17+$0xFFFFFFC0];
	[tilespmem:s18+$0x820 ss:$0x41] =	vst.msk $0xffff, v6;
	s17 =	sadd.s32 $0x80, s17  }
0x47: {  	s21 =	sadd.s32 $0x4, s21;
	v0 =	vld [tilespmem:s17+$0x30];
	[tilespmem:s18+$0xC30 ss:$0x41] =	vst.msk $0xffff, v7  }
0x48: {  	s21 =	sshll.u32 s9, $0x7;
	s22 =	sshll.u32 s10, $0x3;
	s20 =	sshra.s32 s20, $0x2  }
0x49: {  	p1 =	sgt.s32 s9, $0xF41C0;
	s30 =	sshra.s32 s9, $0x1F;
	s25 =	sshra.s32 s10, $0x1F  }
0x4a: {  	v5 =	vld [tilespmem:s17+$0xFFFFFFD0];
	s28 =	sshrl.u32 s10, $0x3;
	s23 =	sand.u32 $0xFFFFFC00, s21;
	s22 =	sand.u32 $0xFFFFFC00, s22  }
0x4b: {  	[tilespmem:s18+$0x1040 ss:$0x41] =	vst.msk $0xffff, v4;
	v58 =	vld [tilespmem:s17+$0xFFFFFFE0];
	s21 =	sand.u32 $0x380, s21;
	s19 =	sadd.s32 s20, s19;
	s22 =	sadd.s32 s22, s23  }
0x4c: {  	v59 =	vld [tilespmem:s17+$0xFFFFFFF0];
	[tilespmem:s18+$0x1450 ss:$0x41] =	vst.msk $0xffff, v3;
	s29 =	sor.u32 s21, s22;
	s21 =	smov.u32 s9;
	s22 =	sand.u32 s30, s9  }
0x4d: {  	v60 =	vld [tilespmem:s17+$0x0];
	[tilespmem:s18+$0x1860 ss:$0x41] =	vst.msk $0xffff, v2;
	s30 =	sand.u32 $0x7, s10;
	s20 =	sshrl.u32 s29, $0x7;
	s21 =	simm.s32 @!p1 $0xF41C0  }
0x4e: {  	v61 =	vld [tilespmem:s17+$0x10];
	[tilespmem:s18+$0x0 ss:$0x41] =	vst.msk $0xffff, v1;
	p1 =	sgt.s32 s10, $0x40;
	s24 =	ssub.s32 s21, s22;
	s21 =	smov.u32 s10  }
0x4f: {  	v62 =	vld [tilespmem:s17+$0x20];
	[tilespmem:s19+$0x1C70 ss:$0x41] =	vst.msk $0xffff, v0;
	s31 =	smulhi.u32 $0x218DEF5, s20;
	s22 =	sand.u32 s25, s10;
	s21 =	simm.s32 @!p1 $0x40  }
0x50: {  	v63 =	vld [tilespmem:s17+$0xFFFFFFC0];
	[tilespmem:s19+$0x410 ss:$0x41] =	vst.msk $0xffff, v5;
	s26 =	sadd.s32 $0xFFF0BE40, s24;
	s17 =	ssub.s32 $0xF4240, s24;
	s21 =	ssub.s32 s21, s22  }
0x51: {  	[tilespmem:s19+$0x820 ss:$0x41] =	vst.msk $0xffff, v58;
	s23 =	sshrl.u32 s31, $0xD;
	p1 =	sgt.s32 s26, $0x7F;
	s27 =	sadd.s32 $0xFFFFFFC0, s21  }
0x52: {  	[tilespmem:s19+$0xC30 ss:$0x41] =	vst.msk $0xffff, v59;
	s23 =	smul.u32 $0xF4240, s23;
	s18 =	ssub.s32 $0x80, s21;
	p2 =	sgt.s32 s27, $0x3F  }
.Ltmp4:
0x53: {  	[tilespmem:s19+$0x1040 ss:$0x41] =	vst.msk $0xffff, v60;
	s17 =	simm.s32 @p1 $0x0;
	s18 =	simm.s32 @p2 $0x0;
	(pc) =	sbr.rel .LBB1_5-.Ltmp4, $4  }
0x54: {  	s29 =	sand.u32 $0xF, s28;
	[tilespmem:s19+$0x1450 ss:$0x41] =	vst.msk $0xffff, v61;
	s20 =	ssub.s32 s20, s23;
	s17 =	smul.u32 s18, s17  }
0x55: {  	[tilespmem:s19+$0x1860 ss:$0x41] =	vst.msk $0xffff, v62;
	s21 =	sshll.u32 s30, $0x12;
	s20 =	sshll.u32 s20, $0x4;
	s18 =	sadd.s32 s5, s29  }
0x56: {  	[tilespmem:s19+$0x0 ss:$0x41] =	vst.msk $0xffff, v63;
	s31 =	sor.u32 $0x40, s21;
	s18 =	sadd.s32 s20, s18;
	s17 =	sand.u32 $0x3FFFFFFF, s17  }
0x57: {  	[hbm4b:s18+s31] =	stream.strided.scatter [tilespmem:s16], [sflag:$0x2], s17, s8, s31, $0x18;
	[tilespmem:$0x8100] =	vst v63  }
.LBB1_6:
0x58: {  	_ =	sfence.sel $0x180000  }
0x59: {  	s2 =	simm.s32 $0x1;
	[bflag:$0x0] =	sbarrier.arrive $0xFFFF  }
0x5a: {  	s31 =	simm.s32 $0x2;
	[sflag:s2] =	ssyncpa.u1 $0x1  }
0x5b: {  	[sflag:s31] =	ssyncpa.u1 $0x1  }
0x5c: {  	p0 =	sne.s32 s1, $0x0;
	_ =	strace $0x90000047  }
0x5d: {  	s0 =	sadd.s32 @!p0 $0x100000, s0;
	[bflag:$0x2] =	sbarrier.arrive $0xFFFF  }
0x5e: {  	[sflag:s0] =	ssyncadd.tile.s32 @!p0 $0x1;
	_ =	shalt  }
.Lfunc_end1:
_tile_overlayer_lowered:
.L_overlay_start_2:
0x5f: {  	(tag) =	ssettag $0x2  }
0x60: {  	s0 =	rddreg [dreg:$0x0];
	s2 =	stileid.u32  }
0x61: {  	s1 =	rddreg [dreg:$0x1];
	p0 =	sne.s32 s2, $0x0  }
0x62: {  	s3 =	rddreg [dreg:$0x2];
	[bflag:$0x3] =	sbarrier.arrive $0xFFFF;
	s2 =	simm.s32 @!p0 $0x1C01  }
0x63: {  	[timem:s3], [sflag:s2] =	dma.local @!p0 [hbm:s0], s1  }
0x64: {  	s0 =	simm.s32 @!p0 $0x1  }
0x65: {  	_ =	swait.ge @!p0 [sflag:s0], s1  }
0x66: {  	s1 =	ssub.s32 @!p0 $0x0, s1;
	[sflag:s0] =	ssyncset.done @!p0 $0x0  }
0x67: {  	[sflag:s0] =	ssyncadd.s32 @!p0 s1  }
0x68: {  	[bflag:$0x3] =	sbarrier.arrive $0xFFFF  }
0x69: {  	_ =	shalt  }

// kernel: sparse-core-data-format-call.cloned.1.call-start
scs
called_computation_lowered:
.L_overlay_start_0:
0x0: {  	s2 =	sld [smem:$0x3FD9]  }
0x1: {  	s3 =	sld [smem:$0x3FFE];
	_ =	sdelay $0x1  }
0x2: {  	s1 =	srdreg.scid  }
0x3: {  	s0 =	sand.u32 $0x1, s1  }
0x4: {  	s18 =	sshll.u32 s0, $0xA;
	s2 =	sadd.s32 s3, s2  }
0x5: {  	s2 =	sadd.s32 s2, s18  }
0x6: {  	[smem:$0x3FC6] =	sst s2  }
0x7: {  	_ = 	snop  }
0x8: {  	s2 =	sld [smem:$0x3FD0];
	(tm) =	ssettm $0x1  }
0x9: {  	s19 =	sld [smem:$0x3FFB];
	_ =	sdelay $0x3  }
0xa: {  	_ =	strace s19  }
0xb: {  	s3 =	sld [smem:$0x3FFC];
	_ =	sdelay $0x3  }
0xc: {  	_ =	strace s3  }
0xd: {  	s3 =	sld [smem:$0x3FFD];
	_ =	sdelay $0x3  }
0xe: {  	_ =	strace s3  }
0xf: {  	_ =	strace $0x8FFFFFFF  }
0x10: {  	s20 =	sld [smem:$0x3FDB];
	_ =	sdelay $0x1  }
0x11: {  	s4 =	simm.s32 $_scs_section_size  }
0x12: {  	s5 =	simm.s32 $_size__tile_overlayer_lowered;
	s6 =	simm.s32 $_tile_overlayer_lowered  }
0x13: {  	s23 =	simm.s32 $0x1BFF;
	s22 =	sshll.u32 s6, $0x1;
	s3 =	sadd.s32 s4, s20  }
0x14: {  	s7 =	simm.s32 $0x0;
	s21 =	sshll.u32 s5, $0x1;
	s5 =	sadd.s32 s22, s3  }
0x15: {  	[timem:s7], [sflag:s23] =	dma.local [hbm:s5], s21  }
0x16: {  	_ =	swait.ge [sflag:s23], s21  }
0x17: {  	s4 =	ssub.s32 $0x0, s21;
	[sflag:s23] =	ssyncset.done $0x0  }
0x18: {  	[sflag:s23] =	ssyncadd.s32 s4;
	_ =	sdelay $0x1  }
0x19: {  	s24 =	simm.s32 $0x1B8B  }
0x1a: {  	_ =	swait.ge [sflag:s24], $0x1  }
0x1b: {  	[sflag:s24] =	ssyncset.done $0x0  }
0x1c: {  	s26 =	simm.s32 $0x1B8E;
	s25 =	sld [smem:$0x3FFE];
	[sflag:s24] =	ssyncadd.s32 $0xFFFFFFFF  }
0x1d: {  	s27 =	simm.s32 $execute0_lowered;
	[smem:$0x3FD2] =	sst s26  }
0x1e: {  	s5 =	sshll.u32 s27, $0x1;
	_ =	strace $0x8000004C;
	[dreg:$0x1] =	wrdreg $0xFFFFFFFF  }
0x1f: {  	s28 =	simm.s32 $_size_execute0_lowered;
	s3 =	sadd.s32 s3, s5;
	[dreg:$0x0] =	wrdreg $0x0  }
0x20: {  	s5 =	sshll.u32 s28, $0x1;
	[dreg:$0x2] =	wrdreg s3  }
0x21: {  	[dreg:$0x3] =	wrdreg s5  }
0x22: {  	[dreg:$0x4] =	wrdreg $0xC0  }
0x23: {  	_ =	task [dreg:s7], $0x5FFFF  }
0x24: {  	[dreg:$0x1] =	wrdreg $0xFFFFFFFF  }
0x25: {  	[dreg:$0x0] =	wrdreg $0x60  }
0x26: {  	[dreg:$0x2] =	wrdreg s25  }
0x27: {  	[dreg:$0x3] =	wrdreg s2  }
0x28: {  	[dreg:$0x4] =	wrdreg $0x9  }
0x29: {  	_ =	task.clear_ibuf [dreg:s7], $0x5FFFF;
	_ =	strace $0x9000004C  }
0x2a: {  	s29 =	simm.s32 $0x9;
	_ =	strace $0x8000004E  }
0x2b: {  	_ =	swait.ge [sflag:s29], $0x1  }
0x2c: {  	[sflag:s29] =	ssyncadd.s32 $0xFFFFFFFF  }
0x2d: {  	_ =	strace $0x9000004E  }
0x2e: {  	_ =	sfence  }
0x2f: {  	s30 =	sld [smem:$0x0];
	_ =	sdelay $0x2  }
0x30: {  	s31 =	sshll.u32 s1, $0xD;
	s1 =	sshrl.u32 s1, $0x2  }
0x31: {  	s3 =	sand.u32 $0x4000, s31;
	s1 =	sadd.s32 s1, s30  }
0x32: {  	s0 =	sor.u32 s3, s0;
	s1 =	sshll.u32 s1, $0x11  }
0x33: {  	s0 =	sor.u32 s1, s0  }
0x34: {  	s0 =	sadd.s32 $0x8F2B, s0  }
0x35: {  	[sflag:s0] =	ssyncadd.remote.s32 $0x1  }
0x36: {  	_ =	sfence.sel $0xFFFF  }
0x37: {  	[dreg:$0x0] =	wrdreg $0xFFFFFFFF;
	(pc) =	sbr.abs _section_cstart, $3  }
0x38: {  	[dreg:$0x1] =	wrdreg $0xFFFFFFFF  }
0x39: {  	_ =	task.clear_ibuf [dreg:s7], $0x2FFFF;
	_ =	strace $0x9FFFFFFF  }
0x3a: {  	(tm) =	ssettm $0x7FFFFFFF  }
0x3b: {  	_ =	shalt  }
tec
execute0_lowered:
.L_overlay_start_1:
0x0: {  	(tag) =	ssettag $0x1  }
0x1: {  	s0 =	srdreg.scid  }
0x2: {  	s1 =	sshll.u32 s0, $0x4  }
0x3: {  	s0 =	stileid.u32;
	s1 =	sand.u32 $0x10, s1  }
0x4: {  	s1 =	sor.u32 s0, s1  }
0x5: {  	s6 =	rddreg [dreg:$0x0];
	s4 =	simm.s32 $0x1;
	s2 =	sshll.u32 s1, $0x7  }
0x6: {  	s7 =	simm.s32 $0x2;
	s12 =	simm.s32 $0x0;
	s1 =	ssub.s32 $0x4000, s2  }
0x7: {  	s8 =	simm.s32 $0x20000;
	s13 =	simm.s32 $0x0;
	s3 =	sand.u32 $0xF80, s1  }
0x8: {  	s9 =	simm.s32 $0x0;
	s5 =	sshrl.u32 s1, $0xC;
	p0 =	sne.s32 s3, $0x0  }
.Ltmp0:
0x9: {  	s1 =	rddreg [dreg:$0x2];
	s4 =	simm.s32 @!p0 $0x0;
	(pc) =	sbr.rel .LBB1_1-.Ltmp0, $4  }
0xa: {  	s11 =	simm.s32 $0x0;
	s3 =	rddreg [dreg:$0x1];
	s5 =	sadd.s32 s4, s5  }
0xb: {  	_ =	strace $0x8000004D;
	s4 =	simm.s32 $0x1;
	s5 =	smul.u32 $0x32, s5  }
0xc: {  	s6 =	sadd.s32 $0xE00, s6;
	s10 =	smov.u32 s2;
	[sflag:s4] =	ssyncpa.u1 $0x0  }
0xd: {  	p0 =	por $0x0, $0x0;
	[sflag:s7] =	ssyncpa.u1 $0x0;
	s7 =	sor.u32 $0x1, s5  }
.LBB1_4:
0xe: {  	s16 =	sshll.u32 s13, $0x3;
	s17 =	sand.u32 $0x78, s13  }
0xf: {  	s30 =	sand.u32 $0x1F800, s13;
	s12 =	sshll.u32 s12, $0x11;
	s16 =	sand.u32 $0x3C00, s16  }
0x10: {  	[tilespmem:s15+$0x810 ss:$0x81] =	vst.msk $0xffff, v2;
	s31 =	sand.u32 $0x7, s13;
	s16 =	sor.u32 s17, s16;
	s17 =	sadd.s32 s3, s30  }
0x11: {  	[tilespmem:s15+$0x1020 ss:$0x81] =	vst.msk $0xffff, v0;
	s13 =	sshll.u32 s31, $0x12;
	s12 =	sadd.s32 s12, s17;
	s16 =	sshrl.u32 s16, $0x3  }
0x12: {  	[tilespmem:s15+$0x0 ss:$0x81] =	vst.msk $0xffff, v1;
	s13 =	sor.u32 $0x400, s13;
	s12 =	sadd.s32 s16, s12  }
0x13: {  	[hbm4b:s12+s13] =	stream.strided.scatter [tilespmem:s14], [sflag:$0x2], $0x2000, s8, s13, $0x20;
	[tilespmem:$0x8080] =	vst v63  }
.LBB1_5:
0x14: {  	s14 =	sadd.s32 $0x1, s9  }
0x15: {  	s12 =	sadd.s32 $0x1000, s10;
	s16 =	smov.u32 s10;
	p2 =	sgt.s32 s14, $0x31  }
0x16: {  	s16 =	smov.u32 @p2 s12  }
0x17: {  	s14 =	simm.s32 @p2 $0x0;
	p2 =	sgt.s32 s16, $0x3FFF  }
0x18: {  	s16 =	smov.u32 @p2 s2;
	p2 =	sne.s32 s11, s7  }
.Ltmp1:
0x19: {  	p1 =	slt.u32 s11, $0x2;
	(pc) =	sbr.rel @!p2 .LBB1_6-.Ltmp1, $4  }
0x1a: {  	s15 =	simm.s32 @!p1 $0x2  }
0x1b: {  	s13 =	smov.u32 s10;
	p0 =	por !p0, !p0;
	_ =	swait.ge @!p1 [sflag:s15], $0x2000  }
0x1c: {  	s12 =	smov.u32 s9;
	[sflag:s15] =	ssyncset.done @!p1 $0x0;
	s9 =	smov.u32 s14  }
0x1d: {  	s11 =	sadd.s32 $0x1, s11;
	[sflag:s15] =	ssyncadd.s32 @!p1 $0xFFFFE000;
	s10 =	smov.u32 s16  }
.LBB1_1:
0x1e: {  	p1 =	sge.u32 s11, s5  }
0x1f: {  	s14 =	sand.u32 @!p1 $0x1FFFFFF, s9  }
0x20: {  	s15 =	smulhi.u32 @!p1 $0x4924925, s14;
	_ =	sdelay $0x1  }
0x21: {  	s15 =	smul.u32 @!p1 $0x38, s15  }
0x22: {  	s16 =	sxor.u32 @!p1 $0xFFFFFFFF, s11;
	s17 =	smul.u32 @!p1 $0x380, s10  }
0x23: {  	s31 =	sadd.s32 $0xFFFFFFFF, s11;
	s16 =	sshll.u32 @!p1 s16, $0xD;
	s14 =	ssub.s32 @!p1 s14, s15  }
0x24: {  	s15 =	sand.u32 @!p1 $0x2000, s16;
	s16 =	sadd.s32 @!p1 s6, s17;
	s14 =	sshll.u32 @!p1 s14, $0x4  }
0x25: {  	s17 =	simm.s32 @!p1 $0x1C00;
	s14 =	sadd.s32 @!p1 s14, s16;
	s16 =	simm.s32 @!p1 $0x40  }
0x26: {  	[tilespmem:s15], [sflag:$0x1] =	stream.strided.gather @!p1 [hbm4b:s14+s16], $0x2000, s17, s16, $0x38;
	[tilespmem:$0x8080] =	vst v63  }
0x27: {  	p1 =	sge.u32 s31, s5  }
.Ltmp2:
0x28: {  	_ = 	snop;
	(pc) =	sbr.rel @p1 .LBB1_5-.Ltmp2, $1  }
0x29: {  	_ =	sdelay $0x3  }
0x2a: {  	s14 =	simm.s32 $0x1  }
0x2b: {  	_ =	swait.ge [sflag:s4], $0x2000;
	s14 =	simm.s32 @!p0 $0x0  }
0x2c: {  	[sflag:s4] =	ssyncset.done $0x0;
	s15 =	sshll.u32 s14, $0xD  }
0x2d: {  	[sflag:s4] =	ssyncadd.s32 $0xFFFFE000;
	s18 =	sor.u32 $0x20, s15  }
0x2e: {  	s14 =	smul.u32 $0x8100, s14;
	v3 =	vld [tilespmem:s18+$0x10]  }
0x2f: {  	s30 =	sand.u32 $0x1, s11;
	v2 =	vld [tilespmem:s18+$0xFFFFFFF0]  }
0x30: {  	s15 =	smul.u32 $0x8100, s30;
	s14 =	sshrl.u32 s14, $0x2;
	v0 =	vld [tilespmem:s18+$0x0]  }
0x31: {  	v1 =	vld [tilespmem:s18+$0xFFFFFFE0];
	s16 =	sor.u32 $0x4000, s14  }
0x32: {  	s31 =	sshrl.u32 s15, $0x2;
	s15 =	sadd.s32 $0x0, s16  }
0x33: {  	s17 =	simm.s32 $0x4;
	s18 =	sadd.s32 $0x40, s18;
	s14 =	sor.u32 $0x4000, s31;
	[tilespmem:s15+$0x1830 ss:$0x81] =	vst.msk $0xffff, v3  }
.LBB1_3:
0x34: {  	v3 =	vld [tilespmem:s18+$0x10];
	p1 =	sne.s32 s17, $0x1FC;
	[tilespmem:s15+$0x810 ss:$0x81] =	vst.msk $0xffff, v2;
	s19 =	smov.u32 s17;
	s17 =	sadd.s32 $0x4, s17  }
.Ltmp3:
0x35: {  	v2 =	vld [tilespmem:s18+$0xFFFFFFF0];
	[tilespmem:s15+$0x1020 ss:$0x81] =	vst.msk $0xffff, v0;
	(pc) =	sbr.rel @p1 .LBB1_3-.Ltmp3, $4  }
0x36: {  	v0 =	vld [tilespmem:s18+$0x0];
	[tilespmem:s15+$0x0 ss:$0x81] =	vst.msk $0xffff, v1  }
0x37: {  	s15 =	sshra.s32 s19, $0x2;
	v1 =	vld [tilespmem:s18+$0xFFFFFFE0]  }
0x38: {  	s15 =	sadd.s32 s15, s16  }
0x39: {  	s18 =	sadd.s32 $0x40, s18;
	[tilespmem:s15+$0x1830 ss:$0x81] =	vst.msk $0xffff, v3  }
.Ltmp4:
0x3a: {  	_ = 	snop;
	(pc) =	sbr.rel .LBB1_4-.Ltmp4, $1  }
0x3b: {  	_ =	sdelay $0x3  }
.LBB1_6:
0x3c: {  	_ =	sfence.sel $0x180000  }
0x3d: {  	s2 =	simm.s32 $0x1;
	[bflag:$0x0] =	sbarrier.arrive $0xFFFF  }
0x3e: {  	s31 =	simm.s32 $0x2;
	[sflag:s2] =	ssyncpa.u1 $0x1  }
0x3f: {  	[sflag:s31] =	ssyncpa.u1 $0x1  }
0x40: {  	p0 =	sne.s32 s0, $0x0;
	_ =	strace $0x9000004D  }
0x41: {  	s0 =	sadd.s32 @!p0 $0x100000, s1;
	[bflag:$0x2] =	sbarrier.arrive $0xFFFF  }
0x42: {  	[sflag:s0] =	ssyncadd.tile.s32 @!p0 $0x1;
	_ =	shalt  }
.Lfunc_end1:
_tile_overlayer_lowered:
.L_overlay_start_2:
0x43: {  	(tag) =	ssettag $0x2  }
0x44: {  	s0 =	rddreg [dreg:$0x0];
	s2 =	stileid.u32  }
0x45: {  	s1 =	rddreg [dreg:$0x1];
	p0 =	sne.s32 s2, $0x0  }
0x46: {  	s3 =	rddreg [dreg:$0x2];
	[bflag:$0x3] =	sbarrier.arrive $0xFFFF;
	s2 =	simm.s32 @!p0 $0x1C01  }
0x47: {  	[timem:s3], [sflag:s2] =	dma.local @!p0 [hbm:s0], s1  }
0x48: {  	s0 =	simm.s32 @!p0 $0x1  }
0x49: {  	_ =	swait.ge @!p0 [sflag:s0], s1  }
0x4a: {  	s1 =	ssub.s32 @!p0 $0x0, s1;
	[sflag:s0] =	ssyncset.done @!p0 $0x0  }
0x4b: {  	[sflag:s0] =	ssyncadd.s32 @!p0 s1  }
0x4c: {  	[bflag:$0x3] =	sbarrier.arrive $0xFFFF  }
0x4d: {  	_ =	shalt  }

</sc_bundles>
